<compile_context>
chip_gen: v7x
topology: tpu7x:2x2x1
jax: 0.10.2.dev20260603
libtpu: 0.0.44.dev20260713+nightly
codegen_flags: <defaults>
</compile_context>

<pallas_src>
import jax
import jax.numpy as jnp
from jax import lax
from jax.experimental import pallas as pl
from jax.experimental.pallas import tpu as pltpu
from jax.experimental.pallas import tpu_sc as plsc

N_NODES = 10000
N_EDGES = 320000
D = 128

NC = 2
NS = 16
ROWS_PER_CORE = 5120
N_TRASH = 64
AGG_ROWS = ROWS_PER_CORE + N_TRASH
TRASH = ROWS_PER_CORE
E_PER_SUB = N_EDGES // NS
E_PAD_SUB = 20480
CHUNK = 80
UNIT = CHUNK
N_UNITS = E_PAD_SUB // UNIT
NB = 2
NIDX = 4
OUT_PER_SUB = ROWS_PER_CORE // NS

_sc_mesh = plsc.VectorSubcoreMesh(core_axis_name="c", subcore_axis_name="s")


def _agg_body(h_hbm, idx_hbm, zero_hbm, out_hbm,
              idx_v, agg_sh, *rows_and_sems):
    rows = rows_and_sems[:NB]
    rsem = rows_and_sems[NB:2 * NB]
    isem = rows_and_sems[2 * NB:]
    cid = lax.axis_index("c")
    sid = lax.axis_index("s")

    @pl.when(sid < NS - 1)
    def _():
        pltpu.sync_copy(zero_hbm.at[pl.ds(0, OUT_PER_SUB)],
                        agg_sh.at[pl.ds(sid * OUT_PER_SUB, OUT_PER_SUB)])

    @pl.when(sid == NS - 1)
    def _():
        pltpu.sync_copy(zero_hbm,
                        agg_sh.at[pl.ds((NS - 1) * OUT_PER_SUB,
                                        OUT_PER_SUB + AGG_ROWS - ROWS_PER_CORE)])

    def idx_fetch(p, slot):
        return pltpu.async_copy(idx_hbm.at[cid, sid, p], idx_v.at[slot],
                                isem[slot])

    def idx_wait(p, slot):
        pltpu.make_async_copy(idx_hbm.at[cid, sid, p], idx_v.at[slot],
                              isem[slot]).wait()

    def gather_start(slot, rb):
        return pltpu.async_copy(h_hbm.at[idx_v.at[slot, 0]], rows[rb], rsem[rb])

    def gather_wait(slot, rb):
        pltpu.make_async_copy(h_hbm.at[idx_v.at[slot, 0]], rows[rb],
                              rsem[rb]).wait()

    for k in range(NIDX):
        idx_fetch(k, k)
    for k in range(NB):
        idx_wait(k, k)
        gather_start(k, k)

    plsc.subcore_barrier()

    @pl.loop(0, N_UNITS, step=NIDX)
    def _(j0):
        for b in range(NIDX):
            j = j0 + b
            rb = b % NB
            gather_wait(b, rb)
            pltpu.sync_copy(rows[rb], agg_sh.at[idx_v.at[b, 1]], add=True)
            jn = j + NB

            @pl.when(jn < N_UNITS)
            def _():
                idx_wait(jn, (b + NB) % NIDX)
                gather_start((b + NB) % NIDX, rb)

            jf = j + NIDX

            @pl.when(jf < N_UNITS)
            def _():
                idx_fetch(jf, b)

    plsc.subcore_barrier()
    pltpu.sync_copy(
        agg_sh.at[pl.ds(sid * OUT_PER_SUB, OUT_PER_SUB)],
        out_hbm.at[cid, pl.ds(sid * OUT_PER_SUB, OUT_PER_SUB)],
    )


@jax.jit
def _sc_aggregate(h, idx_all, zero):
    k = pl.kernel(
        _agg_body,
        out_type=jax.ShapeDtypeStruct((NC, ROWS_PER_CORE, D), jnp.float32),
        mesh=_sc_mesh,
        scratch_types=[
            pltpu.VMEM((NIDX, 2, UNIT), jnp.int32),
            pltpu.VMEM_SHARED((AGG_ROWS, D), jnp.float32),
            *([pltpu.VMEM((UNIT, D), jnp.float32)] * NB),
            *([pltpu.SemaphoreType.DMA] * (NB + NIDX)),
        ],
    )
    return k(h, idx_all, zero)


def _mlp_body(h_ref, a_ref, w1_ref, b1_ref, w2_ref, b2_ref, o_ref):
    z = h_ref[...] + a_ref[...]
    t = jnp.dot(z, w1_ref[...], preferred_element_type=jnp.float32) + b1_ref[...]
    t = jnp.maximum(t, 0.0)
    o_ref[...] = jnp.dot(t, w2_ref[...], preferred_element_type=jnp.float32) + b2_ref[...]


_MLP_BLK = 1000


@jax.jit
def _tc_mlp(h, agg_flat, W1, b1, W2, b2):
    return pl.pallas_call(
        _mlp_body,
        grid=(N_NODES // _MLP_BLK,),
        in_specs=[
            pl.BlockSpec((_MLP_BLK, D), lambda i: (i, 0)),
            pl.BlockSpec((_MLP_BLK, D), lambda i: (i, 0)),
            pl.BlockSpec((D, D), lambda i: (0, 0)),
            pl.BlockSpec((1, D), lambda i: (0, 0)),
            pl.BlockSpec((D, D), lambda i: (0, 0)),
            pl.BlockSpec((1, D), lambda i: (0, 0)),
        ],
        out_specs=pl.BlockSpec((_MLP_BLK, D), lambda i: (i, 0)),
        out_shape=jax.ShapeDtypeStruct((N_NODES, D), jnp.float32),
    )(h, agg_flat, W1, b1.reshape(1, D), W2, b2.reshape(1, D))


def kernel(x, edge_index, W1_0, b1_0, W2_0, b2_0, W1_1, b1_1, W2_1, b2_1,
           W1_2, b1_2, W2_2, b2_2):
    npad = E_PAD_SUB - E_PER_SUB
    src = edge_index[0].astype(jnp.int32).reshape(NS, E_PER_SUB)
    dst = edge_index[1].astype(jnp.int32)
    src_p = jnp.concatenate([src, src[:, :npad]], axis=1)
    src_r = jnp.broadcast_to(src_p.reshape(1, NS, N_UNITS, UNIT),
                             (NC, NS, N_UNITS, UNIT))
    pad_dst = jnp.broadcast_to(
        TRASH + (jnp.arange(npad, dtype=jnp.int32) & (N_TRASH - 1)),
        (NS, npad))
    dst_locals = []
    for c in range(NC):
        local = dst - c * ROWS_PER_CORE
        in_range = (local >= 0) & (local < ROWS_PER_CORE)
        trash = TRASH + (dst & (N_TRASH - 1))
        dst_locals.append(jnp.concatenate(
            [jnp.where(in_range, local, trash).reshape(NS, E_PER_SUB),
             pad_dst], axis=1))
    dst_r = jnp.stack(dst_locals).reshape(NC, NS, N_UNITS, UNIT)
    idx_all = jnp.stack([src_r, dst_r], axis=3)
    zero = jnp.zeros((OUT_PER_SUB + AGG_ROWS - ROWS_PER_CORE, D), jnp.float32)
    params = [(W1_0, b1_0, W2_0, b2_0), (W1_1, b1_1, W2_1, b2_1),
              (W1_2, b1_2, W2_2, b2_2)]
    h = x
    outs = [x]
    for (W1, b1, W2, b2) in params:
        agg = _sc_aggregate(h, idx_all, zero)
        h = _tc_mlp(h, agg.reshape(NC * ROWS_PER_CORE, D), W1, b1, W2, b2)
        outs.append(h)
    return jnp.concatenate(outs, axis=-1)

# --- scband reference (transcript-rebuilt; emitter-appended) ---
"""Pipeline reference for scband-gingnn-16758962389223 (READ-ONLY COPY).

The authoritative reference and input builder live on the scoring server;
editing this copy changes nothing except your own understanding.
"""

import jax, jax.numpy as jnp
import numpy as np

N_NODES = 10000
N_EDGES = 320000
D_IN = 128
D_OUT = 128
N_LAYERS = 3


def _xavier(key, fan_in, fan_out):
    limit = float(np.sqrt(6.0 / (fan_in + fan_out)))
    return jax.random.uniform(key, (fan_in, fan_out), dtype=jnp.float32, minval=-limit, maxval=limit)


def setup_inputs(seed: int = 0) -> dict:
    key = jax.random.key(seed)
    ks = jax.random.split(key, 2 + 4 * N_LAYERS)
    inp = {}
    inp['x'] = jax.random.normal(ks[0], (N_NODES, D_IN), dtype=jnp.float32)
    inp['edge_index'] = jax.random.randint(ks[1], (2, N_EDGES), 0, N_NODES, dtype=jnp.int64)
    d_in = D_IN
    for l in range(N_LAYERS):
        inp[f'W1_{l}'] = _xavier(ks[2 + 4 * l], d_in, D_OUT)
        inp[f'b1_{l}'] = jnp.zeros((D_OUT,), dtype=jnp.float32)
        inp[f'W2_{l}'] = _xavier(ks[3 + 4 * l], D_OUT, D_OUT)
        inp[f'b2_{l}'] = jnp.zeros((D_OUT,), dtype=jnp.float32)
        d_in = D_OUT
    return inp


def _gin_conv(h, src, dst, W1, b1, W2, b2):
    # GINConv with eps=0: mlp((1+eps)*x + sum_{j in N(i)} x_j)
    msgs = h[src]
    agg = jax.ops.segment_sum(msgs, dst, num_segments=h.shape[0])
    z = h + agg
    z = jax.nn.relu(z @ W1 + b1)
    z = z @ W2 + b2
    return z


def reference(x, edge_index, W1_0, b1_0, W2_0, b2_0, W1_1, b1_1, W2_1, b2_1, W1_2, b1_2, W2_2, b2_2):
    src = edge_index[0]
    dst = edge_index[1]
    params = [(W1_0, b1_0, W2_0, b2_0), (W1_1, b1_1, W2_1, b2_1), (W1_2, b1_2, W2_2, b2_2)]
    xs = [x]
    for (W1, b1, W2, b2) in params:
        xs.append(_gin_conv(xs[-1], src, dst, W1, b1, W2, b2))
    return jnp.concatenate(xs, axis=-1)

if __name__ == "__main__":
    import jax
    _d = setup_inputs()
    print(jax.jit(kernel)(*tuple(_d.values())))

</pallas_src>

<mosaic_0001>
#map = affine_map<(d0, d1) -> (0, 0)>
#map1 = affine_map<(d0, d1) -> (0, 0, 0, 0, 0)>
#map2 = affine_map<(d0, d1) -> (0, 0, 0)>
module attributes {stable_mosaic.version = 14 : i64} {
  func.func @_agg_body(%arg0: i32, %arg1: i32, %arg2: memref<10000x128xf32, #tpu.memory_space<hbm>>, %arg3: memref<2x16x256x2x80xi32, #tpu.memory_space<hbm>>, %arg4: memref<384x128xf32, #tpu.memory_space<hbm>>, %arg5: memref<2x5120x128xf32, #tpu.memory_space<hbm>>, %arg6: memref<4x2x80xi32, #tpu.memory_space<vmem>>, %arg7: memref<5184x128xf32, #tpu.memory_space<vmem_shared>>, %arg8: memref<80x128xf32, #tpu.memory_space<vmem>>, %arg9: memref<80x128xf32, #tpu.memory_space<vmem>>, %arg10: memref<!tpu.dma_semaphore, #tpu.memory_space<semaphore_mem>>, %arg11: memref<!tpu.dma_semaphore, #tpu.memory_space<semaphore_mem>>, %arg12: memref<!tpu.dma_semaphore, #tpu.memory_space<semaphore_mem>>, %arg13: memref<!tpu.dma_semaphore, #tpu.memory_space<semaphore_mem>>, %arg14: memref<!tpu.dma_semaphore, #tpu.memory_space<semaphore_mem>>, %arg15: memref<!tpu.dma_semaphore, #tpu.memory_space<semaphore_mem>>) attributes {dimension_semantics = [#tpu.dimension_semantics<core_parallel>, #tpu.dimension_semantics<subcore_parallel>], iteration_bounds = array<i64: 2, 16>, scalar_prefetch = 0 : i64, scratch_operands = 10 : i64, tpu.core_type = #tpu.core_type<sc_vector_subcore>, window_params = [{transform_indices = #map}, {transform_indices = #map1}, {transform_indices = #map}, {transform_indices = #map2}]} {
    %lt3A = arith.constant 15 : i32
    %lt3A_0 = arith.cmpi slt, %arg1, %lt3A : i32
    %convert_element_type3A = arith.extui %lt3A_0 : i1 to i32
    %cond3A = arith.constant 0 : i32
    %cond3A_1 = arith.cmpi ne, %convert_element_type3A, %cond3A : i32
    scf.if %cond3A_1 {
      %mul3A_136 = arith.constant 320 : i32
      %mul3A_137 = arith.muli %arg1, %mul3A_136 : i32
      "tpu.region"() ({
        %run_scoped3A = tpu.sem_alloc : memref<!tpu.dma_semaphore, #tpu.memory_space<semaphore_mem>>
        %dma_start3A_138 = arith.constant 0 : i32
        %dma_start3A_139 = tpu.memref_slice %arg7[%mul3A_137, %dma_start3A_138] : memref<5184x128xf32, #tpu.memory_space<vmem_shared>> -> memref<320x128xf32, #tpu.memory_space<vmem_shared>>
        %dma_start3A_140 = arith.constant 0 : i32
        %dma_start3A_141 = arith.constant 0 : i32
        %dma_start3A_142 = tpu.memref_slice %arg4[%dma_start3A_140, %dma_start3A_141] : memref<384x128xf32, #tpu.memory_space<hbm>> -> memref<320x128xf32, #tpu.memory_space<hbm>>
        tpu.enqueue_dma source(%dma_start3A_142 : memref<320x128xf32, #tpu.memory_space<hbm>>) target(%dma_start3A_139 : memref<320x128xf32, #tpu.memory_space<vmem_shared>>) target_semaphore(%run_scoped3A : memref<!tpu.dma_semaphore, #tpu.memory_space<semaphore_mem>>)
        %dma_wait3A_143 = arith.constant 0 : i32
        %dma_wait3A_144 = tpu.memref_slice %arg7[%mul3A_137, %dma_wait3A_143] : memref<5184x128xf32, #tpu.memory_space<vmem_shared>> -> memref<320x128xf32, #tpu.memory_space<vmem_shared>>
        %dma_wait3A_145 = arith.constant 0 : i32
        %dma_wait3A_146 = arith.constant 0 : i32
        %dma_wait3A_147 = tpu.memref_slice %arg4[%dma_wait3A_145, %dma_wait3A_146] : memref<384x128xf32, #tpu.memory_space<hbm>> -> memref<320x128xf32, #tpu.memory_space<hbm>>
        tpu.wait_dma2 semaphore(%run_scoped3A : memref<!tpu.dma_semaphore, #tpu.memory_space<semaphore_mem>>) src(%dma_wait3A_147 : memref<320x128xf32, #tpu.memory_space<hbm>>) dst(%dma_wait3A_144 : memref<320x128xf32, #tpu.memory_space<vmem_shared>>)
        tpu.yield
      }) : () -> ()
    } else {
    }
    %eq3A = arith.constant 15 : i32
    %eq3A_2 = arith.cmpi eq, %arg1, %eq3A : i32
    %convert_element_type3A_3 = arith.extui %eq3A_2 : i1 to i32
    %cond3A_4 = arith.constant 0 : i32
    %cond3A_5 = arith.cmpi ne, %convert_element_type3A_3, %cond3A_4 : i32
    scf.if %cond3A_5 {
      "tpu.region"() ({
        %run_scoped3A = tpu.sem_alloc : memref<!tpu.dma_semaphore, #tpu.memory_space<semaphore_mem>>
        %dma_start3A_136 = arith.constant 4800 : i32
        %dma_start3A_137 = arith.constant 0 : i32
        %dma_start3A_138 = tpu.memref_slice %arg7[%dma_start3A_136, %dma_start3A_137] : memref<5184x128xf32, #tpu.memory_space<vmem_shared>> -> memref<384x128xf32, #tpu.memory_space<vmem_shared>>
        tpu.enqueue_dma source(%arg4 : memref<384x128xf32, #tpu.memory_space<hbm>>) target(%dma_start3A_138 : memref<384x128xf32, #tpu.memory_space<vmem_shared>>) target_semaphore(%run_scoped3A : memref<!tpu.dma_semaphore, #tpu.memory_space<semaphore_mem>>)
        %dma_wait3A_139 = arith.constant 4800 : i32
        %dma_wait3A_140 = arith.constant 0 : i32
        %dma_wait3A_141 = tpu.memref_slice %arg7[%dma_wait3A_139, %dma_wait3A_140] : memref<5184x128xf32, #tpu.memory_space<vmem_shared>> -> memref<384x128xf32, #tpu.memory_space<vmem_shared>>
        tpu.wait_dma2 semaphore(%run_scoped3A : memref<!tpu.dma_semaphore, #tpu.memory_space<semaphore_mem>>) src(%arg4 : memref<384x128xf32, #tpu.memory_space<hbm>>) dst(%dma_wait3A_141 : memref<384x128xf32, #tpu.memory_space<vmem_shared>>)
        tpu.yield
      }) : () -> ()
    } else {
    }
    %dma_start3A = arith.constant 0 : i32
    %dma_start3A_6 = arith.constant 0 : i32
    %dma_start3A_7 = arith.constant 0 : i32
    %dma_start3A_8 = arith.constant 0 : i32
    %dma_start3A_9 = tpu.memref_slice %arg6[%dma_start3A_6, %dma_start3A_7, %dma_start3A_8] : memref<4x2x80xi32, #tpu.memory_space<vmem>> -> memref<1x2x80xi32, #tpu.memory_space<vmem>>
    %dma_start3A_10 = tpu.memref_squeeze %dma_start3A_9 : memref<1x2x80xi32, #tpu.memory_space<vmem>> -> memref<2x80xi32, #tpu.memory_space<vmem>>
    %dma_start3A_11 = arith.constant 0 : i32
    %dma_start3A_12 = arith.constant 0 : i32
    %dma_start3A_13 = tpu.memref_slice %arg3[%arg0, %arg1, %dma_start3A, %dma_start3A_11, %dma_start3A_12] : memref<2x16x256x2x80xi32, #tpu.memory_space<hbm>> -> memref<1x1x1x2x80xi32, #tpu.memory_space<hbm>>
    %dma_start3A_14 = tpu.memref_squeeze %dma_start3A_13 : memref<1x1x1x2x80xi32, #tpu.memory_space<hbm>> -> memref<2x80xi32, #tpu.memory_space<hbm>>
    %dma_start3A_15 = arith.constant 0 : i32
    %dma_start3A_16 = arith.constant 0 : i32
    %dma_start3A_17 = tpu.memref_slice %arg6[%dma_start3A_6, %dma_start3A_15, %dma_start3A_16] : memref<4x2x80xi32, #tpu.memory_space<vmem>> -> memref<1x2x80xi32, #tpu.memory_space<vmem>>
    %dma_start3A_18 = tpu.memref_squeeze %dma_start3A_17 : memref<1x2x80xi32, #tpu.memory_space<vmem>> -> memref<2x80xi32, #tpu.memory_space<vmem>>
    %dma_start3A_19 = arith.constant 0 : i32
    %dma_start3A_20 = arith.constant 0 : i32
    %dma_start3A_21 = tpu.memref_slice %arg3[%arg0, %arg1, %dma_start3A, %dma_start3A_19, %dma_start3A_20] : memref<2x16x256x2x80xi32, #tpu.memory_space<hbm>> -> memref<1x1x1x2x80xi32, #tpu.memory_space<hbm>>
    %dma_start3A_22 = tpu.memref_squeeze %dma_start3A_21 : memref<1x1x1x2x80xi32, #tpu.memory_space<hbm>> -> memref<2x80xi32, #tpu.memory_space<hbm>>
    tpu.enqueue_dma source(%dma_start3A_22 : memref<2x80xi32, #tpu.memory_space<hbm>>) target(%dma_start3A_18 : memref<2x80xi32, #tpu.memory_space<vmem>>) target_semaphore(%arg12 : memref<!tpu.dma_semaphore, #tpu.memory_space<semaphore_mem>>)
    %dma_start3A_23 = arith.constant 1 : i32
    %dma_start3A_24 = arith.constant 1 : i32
    %dma_start3A_25 = arith.constant 0 : i32
    %dma_start3A_26 = arith.constant 0 : i32
    %dma_start3A_27 = tpu.memref_slice %arg6[%dma_start3A_24, %dma_start3A_25, %dma_start3A_26] : memref<4x2x80xi32, #tpu.memory_space<vmem>> -> memref<1x2x80xi32, #tpu.memory_space<vmem>>
    %dma_start3A_28 = tpu.memref_squeeze %dma_start3A_27 : memref<1x2x80xi32, #tpu.memory_space<vmem>> -> memref<2x80xi32, #tpu.memory_space<vmem>>
    %dma_start3A_29 = arith.constant 0 : i32
    %dma_start3A_30 = arith.constant 0 : i32
    %dma_start3A_31 = tpu.memref_slice %arg3[%arg0, %arg1, %dma_start3A_23, %dma_start3A_29, %dma_start3A_30] : memref<2x16x256x2x80xi32, #tpu.memory_space<hbm>> -> memref<1x1x1x2x80xi32, #tpu.memory_space<hbm>>
    %dma_start3A_32 = tpu.memref_squeeze %dma_start3A_31 : memref<1x1x1x2x80xi32, #tpu.memory_space<hbm>> -> memref<2x80xi32, #tpu.memory_space<hbm>>
    %dma_start3A_33 = arith.constant 0 : i32
    %dma_start3A_34 = arith.constant 0 : i32
    %dma_start3A_35 = tpu.memref_slice %arg6[%dma_start3A_24, %dma_start3A_33, %dma_start3A_34] : memref<4x2x80xi32, #tpu.memory_space<vmem>> -> memref<1x2x80xi32, #tpu.memory_space<vmem>>
    %dma_start3A_36 = tpu.memref_squeeze %dma_start3A_35 : memref<1x2x80xi32, #tpu.memory_space<vmem>> -> memref<2x80xi32, #tpu.memory_space<vmem>>
    %dma_start3A_37 = arith.constant 0 : i32
    %dma_start3A_38 = arith.constant 0 : i32
    %dma_start3A_39 = tpu.memref_slice %arg3[%arg0, %arg1, %dma_start3A_23, %dma_start3A_37, %dma_start3A_38] : memref<2x16x256x2x80xi32, #tpu.memory_space<hbm>> -> memref<1x1x1x2x80xi32, #tpu.memory_space<hbm>>
    %dma_start3A_40 = tpu.memref_squeeze %dma_start3A_39 : memref<1x1x1x2x80xi32, #tpu.memory_space<hbm>> -> memref<2x80xi32, #tpu.memory_space<hbm>>
    tpu.enqueue_dma source(%dma_start3A_40 : memref<2x80xi32, #tpu.memory_space<hbm>>) target(%dma_start3A_36 : memref<2x80xi32, #tpu.memory_space<vmem>>) target_semaphore(%arg13 : memref<!tpu.dma_semaphore, #tpu.memory_space<semaphore_mem>>)
    %dma_start3A_41 = arith.constant 2 : i32
    %dma_start3A_42 = arith.constant 2 : i32
    %dma_start3A_43 = arith.constant 0 : i32
    %dma_start3A_44 = arith.constant 0 : i32
    %dma_start3A_45 = tpu.memref_slice %arg6[%dma_start3A_42, %dma_start3A_43, %dma_start3A_44] : memref<4x2x80xi32, #tpu.memory_space<vmem>> -> memref<1x2x80xi32, #tpu.memory_space<vmem>>
    %dma_start3A_46 = tpu.memref_squeeze %dma_start3A_45 : memref<1x2x80xi32, #tpu.memory_space<vmem>> -> memref<2x80xi32, #tpu.memory_space<vmem>>
    %dma_start3A_47 = arith.constant 0 : i32
    %dma_start3A_48 = arith.constant 0 : i32
    %dma_start3A_49 = tpu.memref_slice %arg3[%arg0, %arg1, %dma_start3A_41, %dma_start3A_47, %dma_start3A_48] : memref<2x16x256x2x80xi32, #tpu.memory_space<hbm>> -> memref<1x1x1x2x80xi32, #tpu.memory_space<hbm>>
    %dma_start3A_50 = tpu.memref_squeeze %dma_start3A_49 : memref<1x1x1x2x80xi32, #tpu.memory_space<hbm>> -> memref<2x80xi32, #tpu.memory_space<hbm>>
    %dma_start3A_51 = arith.constant 0 : i32
    %dma_start3A_52 = arith.constant 0 : i32
    %dma_start3A_53 = tpu.memref_slice %arg6[%dma_start3A_42, %dma_start3A_51, %dma_start3A_52] : memref<4x2x80xi32, #tpu.memory_space<vmem>> -> memref<1x2x80xi32, #tpu.memory_space<vmem>>
    %dma_start3A_54 = tpu.memref_squeeze %dma_start3A_53 : memref<1x2x80xi32, #tpu.memory_space<vmem>> -> memref<2x80xi32, #tpu.memory_space<vmem>>
    %dma_start3A_55 = arith.constant 0 : i32
    %dma_start3A_56 = arith.constant 0 : i32
    %dma_start3A_57 = tpu.memref_slice %arg3[%arg0, %arg1, %dma_start3A_41, %dma_start3A_55, %dma_start3A_56] : memref<2x16x256x2x80xi32, #tpu.memory_space<hbm>> -> memref<1x1x1x2x80xi32, #tpu.memory_space<hbm>>
    %dma_start3A_58 = tpu.memref_squeeze %dma_start3A_57 : memref<1x1x1x2x80xi32, #tpu.memory_space<hbm>> -> memref<2x80xi32, #tpu.memory_space<hbm>>
    tpu.enqueue_dma source(%dma_start3A_58 : memref<2x80xi32, #tpu.memory_space<hbm>>) target(%dma_start3A_54 : memref<2x80xi32, #tpu.memory_space<vmem>>) target_semaphore(%arg14 : memref<!tpu.dma_semaphore, #tpu.memory_space<semaphore_mem>>)
    %dma_start3A_59 = arith.constant 3 : i32
    %dma_start3A_60 = arith.constant 3 : i32
    %dma_start3A_61 = arith.constant 0 : i32
    %dma_start3A_62 = arith.constant 0 : i32
    %dma_start3A_63 = tpu.memref_slice %arg6[%dma_start3A_60, %dma_start3A_61, %dma_start3A_62] : memref<4x2x80xi32, #tpu.memory_space<vmem>> -> memref<1x2x80xi32, #tpu.memory_space<vmem>>
    %dma_start3A_64 = tpu.memref_squeeze %dma_start3A_63 : memref<1x2x80xi32, #tpu.memory_space<vmem>> -> memref<2x80xi32, #tpu.memory_space<vmem>>
    %dma_start3A_65 = arith.constant 0 : i32
    %dma_start3A_66 = arith.constant 0 : i32
    %dma_start3A_67 = tpu.memref_slice %arg3[%arg0, %arg1, %dma_start3A_59, %dma_start3A_65, %dma_start3A_66] : memref<2x16x256x2x80xi32, #tpu.memory_space<hbm>> -> memref<1x1x1x2x80xi32, #tpu.memory_space<hbm>>
    %dma_start3A_68 = tpu.memref_squeeze %dma_start3A_67 : memref<1x1x1x2x80xi32, #tpu.memory_space<hbm>> -> memref<2x80xi32, #tpu.memory_space<hbm>>
    %dma_start3A_69 = arith.constant 0 : i32
    %dma_start3A_70 = arith.constant 0 : i32
    %dma_start3A_71 = tpu.memref_slice %arg6[%dma_start3A_60, %dma_start3A_69, %dma_start3A_70] : memref<4x2x80xi32, #tpu.memory_space<vmem>> -> memref<1x2x80xi32, #tpu.memory_space<vmem>>
    %dma_start3A_72 = tpu.memref_squeeze %dma_start3A_71 : memref<1x2x80xi32, #tpu.memory_space<vmem>> -> memref<2x80xi32, #tpu.memory_space<vmem>>
    %dma_start3A_73 = arith.constant 0 : i32
    %dma_start3A_74 = arith.constant 0 : i32
    %dma_start3A_75 = tpu.memref_slice %arg3[%arg0, %arg1, %dma_start3A_59, %dma_start3A_73, %dma_start3A_74] : memref<2x16x256x2x80xi32, #tpu.memory_space<hbm>> -> memref<1x1x1x2x80xi32, #tpu.memory_space<hbm>>
    %dma_start3A_76 = tpu.memref_squeeze %dma_start3A_75 : memref<1x1x1x2x80xi32, #tpu.memory_space<hbm>> -> memref<2x80xi32, #tpu.memory_space<hbm>>
    tpu.enqueue_dma source(%dma_start3A_76 : memref<2x80xi32, #tpu.memory_space<hbm>>) target(%dma_start3A_72 : memref<2x80xi32, #tpu.memory_space<vmem>>) target_semaphore(%arg15 : memref<!tpu.dma_semaphore, #tpu.memory_space<semaphore_mem>>)
    %dma_wait3A = arith.constant 0 : i32
    %dma_wait3A_77 = arith.constant 0 : i32
    %dma_wait3A_78 = arith.constant 0 : i32
    %dma_wait3A_79 = arith.constant 0 : i32
    %dma_wait3A_80 = tpu.memref_slice %arg6[%dma_wait3A_77, %dma_wait3A_78, %dma_wait3A_79] : memref<4x2x80xi32, #tpu.memory_space<vmem>> -> memref<1x2x80xi32, #tpu.memory_space<vmem>>
    %dma_wait3A_81 = tpu.memref_squeeze %dma_wait3A_80 : memref<1x2x80xi32, #tpu.memory_space<vmem>> -> memref<2x80xi32, #tpu.memory_space<vmem>>
    %dma_wait3A_82 = arith.constant 0 : i32
    %dma_wait3A_83 = arith.constant 0 : i32
    %dma_wait3A_84 = tpu.memref_slice %arg3[%arg0, %arg1, %dma_wait3A, %dma_wait3A_82, %dma_wait3A_83] : memref<2x16x256x2x80xi32, #tpu.memory_space<hbm>> -> memref<1x1x1x2x80xi32, #tpu.memory_space<hbm>>
    %dma_wait3A_85 = tpu.memref_squeeze %dma_wait3A_84 : memref<1x1x1x2x80xi32, #tpu.memory_space<hbm>> -> memref<2x80xi32, #tpu.memory_space<hbm>>
    %dma_wait3A_86 = arith.constant 0 : i32
    %dma_wait3A_87 = arith.constant 0 : i32
    %dma_wait3A_88 = tpu.memref_slice %arg6[%dma_wait3A_77, %dma_wait3A_86, %dma_wait3A_87] : memref<4x2x80xi32, #tpu.memory_space<vmem>> -> memref<1x2x80xi32, #tpu.memory_space<vmem>>
    %dma_wait3A_89 = tpu.memref_squeeze %dma_wait3A_88 : memref<1x2x80xi32, #tpu.memory_space<vmem>> -> memref<2x80xi32, #tpu.memory_space<vmem>>
    %dma_wait3A_90 = arith.constant 0 : i32
    %dma_wait3A_91 = arith.constant 0 : i32
    %dma_wait3A_92 = tpu.memref_slice %arg3[%arg0, %arg1, %dma_wait3A, %dma_wait3A_90, %dma_wait3A_91] : memref<2x16x256x2x80xi32, #tpu.memory_space<hbm>> -> memref<1x1x1x2x80xi32, #tpu.memory_space<hbm>>
    %dma_wait3A_93 = tpu.memref_squeeze %dma_wait3A_92 : memref<1x1x1x2x80xi32, #tpu.memory_space<hbm>> -> memref<2x80xi32, #tpu.memory_space<hbm>>
    tpu.wait_dma2 semaphore(%arg12 : memref<!tpu.dma_semaphore, #tpu.memory_space<semaphore_mem>>) src(%dma_wait3A_93 : memref<2x80xi32, #tpu.memory_space<hbm>>) dst(%dma_wait3A_89 : memref<2x80xi32, #tpu.memory_space<vmem>>)
    %dma_start3A_94 = arith.constant 0 : i32
    %dma_start3A_95 = arith.constant 0 : i32
    %dma_start3A_96 = arith.constant 0 : i32
    %dma_start3A_97 = tpu.memref_slice %arg6[%dma_start3A_94, %dma_start3A_95, %dma_start3A_96] : memref<4x2x80xi32, #tpu.memory_space<vmem>> -> memref<1x1x80xi32, #tpu.memory_space<vmem>>
    %dma_start3A_98 = tpu.memref_squeeze %dma_start3A_97 : memref<1x1x80xi32, #tpu.memory_space<vmem>> -> memref<80xi32, #tpu.memory_space<vmem>>
    %dma_start3A_99 = arith.constant 0 : i32
    %dma_start3A_100 = arith.constant 0 : i32
    %dma_start3A_101 = tpu.memref_slice %arg2[%dma_start3A_99, %dma_start3A_100] : memref<10000x128xf32, #tpu.memory_space<hbm>> -> memref<10000x128xf32, #tpu.memory_space<hbm>>
    tpu.enqueue_indirect_dma source(%dma_start3A_101 : memref<10000x128xf32, #tpu.memory_space<hbm>>) target(%arg8 : memref<80x128xf32, #tpu.memory_space<vmem>>) offsets(%dma_start3A_98 : memref<80xi32, #tpu.memory_space<vmem>>) semaphore(%arg10 : memref<!tpu.dma_semaphore, #tpu.memory_space<semaphore_mem>>)
    %dma_wait3A_102 = arith.constant 1 : i32
    %dma_wait3A_103 = arith.constant 1 : i32
    %dma_wait3A_104 = arith.constant 0 : i32
    %dma_wait3A_105 = arith.constant 0 : i32
    %dma_wait3A_106 = tpu.memref_slice %arg6[%dma_wait3A_103, %dma_wait3A_104, %dma_wait3A_105] : memref<4x2x80xi32, #tpu.memory_space<vmem>> -> memref<1x2x80xi32, #tpu.memory_space<vmem>>
    %dma_wait3A_107 = tpu.memref_squeeze %dma_wait3A_106 : memref<1x2x80xi32, #tpu.memory_space<vmem>> -> memref<2x80xi32, #tpu.memory_space<vmem>>
    %dma_wait3A_108 = arith.constant 0 : i32
    %dma_wait3A_109 = arith.constant 0 : i32
    %dma_wait3A_110 = tpu.memref_slice %arg3[%arg0, %arg1, %dma_wait3A_102, %dma_wait3A_108, %dma_wait3A_109] : memref<2x16x256x2x80xi32, #tpu.memory_space<hbm>> -> memref<1x1x1x2x80xi32, #tpu.memory_space<hbm>>
    %dma_wait3A_111 = tpu.memref_squeeze %dma_wait3A_110 : memref<1x1x1x2x80xi32, #tpu.memory_space<hbm>> -> memref<2x80xi32, #tpu.memory_space<hbm>>
    %dma_wait3A_112 = arith.constant 0 : i32
    %dma_wait3A_113 = arith.constant 0 : i32
    %dma_wait3A_114 = tpu.memref_slice %arg6[%dma_wait3A_103, %dma_wait3A_112, %dma_wait3A_113] : memref<4x2x80xi32, #tpu.memory_space<vmem>> -> memref<1x2x80xi32, #tpu.memory_space<vmem>>
    %dma_wait3A_115 = tpu.memref_squeeze %dma_wait3A_114 : memref<1x2x80xi32, #tpu.memory_space<vmem>> -> memref<2x80xi32, #tpu.memory_space<vmem>>
    %dma_wait3A_116 = arith.constant 0 : i32
    %dma_wait3A_117 = arith.constant 0 : i32
    %dma_wait3A_118 = tpu.memref_slice %arg3[%arg0, %arg1, %dma_wait3A_102, %dma_wait3A_116, %dma_wait3A_117] : memref<2x16x256x2x80xi32, #tpu.memory_space<hbm>> -> memref<1x1x1x2x80xi32, #tpu.memory_space<hbm>>
    %dma_wait3A_119 = tpu.memref_squeeze %dma_wait3A_118 : memref<1x1x1x2x80xi32, #tpu.memory_space<hbm>> -> memref<2x80xi32, #tpu.memory_space<hbm>>
    tpu.wait_dma2 semaphore(%arg13 : memref<!tpu.dma_semaphore, #tpu.memory_space<semaphore_mem>>) src(%dma_wait3A_119 : memref<2x80xi32, #tpu.memory_space<hbm>>) dst(%dma_wait3A_115 : memref<2x80xi32, #tpu.memory_space<vmem>>)
    %dma_start3A_120 = arith.constant 1 : i32
    %dma_start3A_121 = arith.constant 0 : i32
    %dma_start3A_122 = arith.constant 0 : i32
    %dma_start3A_123 = tpu.memref_slice %arg6[%dma_start3A_120, %dma_start3A_121, %dma_start3A_122] : memref<4x2x80xi32, #tpu.memory_space<vmem>> -> memref<1x1x80xi32, #tpu.memory_space<vmem>>
    %dma_start3A_124 = tpu.memref_squeeze %dma_start3A_123 : memref<1x1x80xi32, #tpu.memory_space<vmem>> -> memref<80xi32, #tpu.memory_space<vmem>>
    %dma_start3A_125 = arith.constant 0 : i32
    %dma_start3A_126 = arith.constant 0 : i32
    %dma_start3A_127 = tpu.memref_slice %arg2[%dma_start3A_125, %dma_start3A_126] : memref<10000x128xf32, #tpu.memory_space<hbm>> -> memref<10000x128xf32, #tpu.memory_space<hbm>>
    tpu.enqueue_indirect_dma source(%dma_start3A_127 : memref<10000x128xf32, #tpu.memory_space<hbm>>) target(%arg9 : memref<80x128xf32, #tpu.memory_space<vmem>>) offsets(%dma_start3A_124 : memref<80xi32, #tpu.memory_space<vmem>>) semaphore(%arg11 : memref<!tpu.dma_semaphore, #tpu.memory_space<semaphore_mem>>)
    %barrier3A = arith.constant 0 : index
    tpu.barrier barrier_id(%barrier3A)
    %scan3A = arith.constant 0 : i32
    %scan3A_128 = arith.constant 64 : i32
    %scan3A_129 = arith.addi %scan3A, %scan3A_128 : i32
    %scan3A_130 = arith.constant 1 : i32
    scf.for %scan3A_136 = %scan3A to %scan3A_129 step %scan3A_130  : i32 {
      %mul3A_137 = arith.constant 4 : i32
      %mul3A_138 = arith.muli %scan3A_136, %mul3A_137 : i32
      %add3A = arith.constant 0 : i32
      %add3A_139 = arith.addi %add3A, %mul3A_138 : i32
      %add3A_140 = arith.constant 0 : i32
      %add3A_141 = arith.addi %add3A_139, %add3A_140 : i32
      %dma_wait3A_142 = arith.constant 0 : i32
      %dma_wait3A_143 = arith.constant 0 : i32
      %dma_wait3A_144 = arith.constant 0 : i32
      %dma_wait3A_145 = tpu.memref_slice %arg6[%dma_wait3A_142, %dma_wait3A_143, %dma_wait3A_144] : memref<4x2x80xi32, #tpu.memory_space<vmem>> -> memref<1x1x80xi32, #tpu.memory_space<vmem>>
      %dma_wait3A_146 = tpu.memref_squeeze %dma_wait3A_145 : memref<1x1x80xi32, #tpu.memory_space<vmem>> -> memref<80xi32, #tpu.memory_space<vmem>>
      %dma_wait3A_147 = arith.constant 0 : i32
      %dma_wait3A_148 = arith.constant 0 : i32
      %dma_wait3A_149 = tpu.memref_slice %arg2[%dma_wait3A_147, %dma_wait3A_148] : memref<10000x128xf32, #tpu.memory_space<hbm>> -> memref<10000x128xf32, #tpu.memory_space<hbm>>
      tpu.wait_indirect_dma semaphore(%arg10 : memref<!tpu.dma_semaphore, #tpu.memory_space<semaphore_mem>>) src(%dma_wait3A_149 : memref<10000x128xf32, #tpu.memory_space<hbm>>) dst(%arg8 : memref<80x128xf32, #tpu.memory_space<vmem>>)
      %run_scoped3A = arith.constant 0 : i32
      %run_scoped3A_150 = arith.constant 1 : i32
      "tpu.region"() ({
        %run_scoped3A_243 = tpu.sem_alloc : memref<!tpu.dma_semaphore, #tpu.memory_space<semaphore_mem>>
        %dma_start3A_244 = arith.constant 0 : i32
        %dma_start3A_245 = tpu.memref_slice %arg6[%run_scoped3A, %run_scoped3A_150, %dma_start3A_244] : memref<4x2x80xi32, #tpu.memory_space<vmem>> -> memref<1x1x80xi32, #tpu.memory_space<vmem>>
        %dma_start3A_246 = tpu.memref_squeeze %dma_start3A_245 : memref<1x1x80xi32, #tpu.memory_space<vmem>> -> memref<80xi32, #tpu.memory_space<vmem>>
        %dma_start3A_247 = arith.constant 0 : i32
        %dma_start3A_248 = arith.constant 0 : i32
        %dma_start3A_249 = tpu.memref_slice %arg7[%dma_start3A_247, %dma_start3A_248] : memref<5184x128xf32, #tpu.memory_space<vmem_shared>> -> memref<5184x128xf32, #tpu.memory_space<vmem_shared>>
        tpu.enqueue_indirect_dma source(%arg8 : memref<80x128xf32, #tpu.memory_space<vmem>>) target(%dma_start3A_249 : memref<5184x128xf32, #tpu.memory_space<vmem_shared>>) offsets(%dma_start3A_246 : memref<80xi32, #tpu.memory_space<vmem>>) semaphore(%run_scoped3A_243 : memref<!tpu.dma_semaphore, #tpu.memory_space<semaphore_mem>>) {add = true}
        %dma_wait3A_250 = arith.constant 0 : i32
        %dma_wait3A_251 = tpu.memref_slice %arg6[%run_scoped3A, %run_scoped3A_150, %dma_wait3A_250] : memref<4x2x80xi32, #tpu.memory_space<vmem>> -> memref<1x1x80xi32, #tpu.memory_space<vmem>>
        %dma_wait3A_252 = tpu.memref_squeeze %dma_wait3A_251 : memref<1x1x80xi32, #tpu.memory_space<vmem>> -> memref<80xi32, #tpu.memory_space<vmem>>
        %dma_wait3A_253 = arith.constant 0 : i32
        %dma_wait3A_254 = arith.constant 0 : i32
        %dma_wait3A_255 = tpu.memref_slice %arg7[%dma_wait3A_253, %dma_wait3A_254] : memref<5184x128xf32, #tpu.memory_space<vmem_shared>> -> memref<5184x128xf32, #tpu.memory_space<vmem_shared>>
        tpu.wait_indirect_dma semaphore(%run_scoped3A_243 : memref<!tpu.dma_semaphore, #tpu.memory_space<semaphore_mem>>) src(%arg8 : memref<80x128xf32, #tpu.memory_space<vmem>>) dst(%dma_wait3A_255 : memref<5184x128xf32, #tpu.memory_space<vmem_shared>>)
        tpu.yield
      }) : () -> ()
      %add3A_151 = arith.constant 2 : i32
      %add3A_152 = arith.addi %add3A_141, %add3A_151 : i32
      %lt3A_153 = arith.constant 256 : i32
      %lt3A_154 = arith.cmpi slt, %add3A_152, %lt3A_153 : i32
      %convert_element_type3A_155 = arith.extui %lt3A_154 : i1 to i32
      %cond3A_156 = arith.constant 0 : i32
      %cond3A_157 = arith.cmpi ne, %convert_element_type3A_155, %cond3A_156 : i32
      scf.if %cond3A_157 {
        %dma_wait3A_243 = arith.constant 2 : i32
        %dma_wait3A_244 = arith.constant 0 : i32
        %dma_wait3A_245 = arith.constant 0 : i32
        %dma_wait3A_246 = tpu.memref_slice %arg6[%dma_wait3A_243, %dma_wait3A_244, %dma_wait3A_245] : memref<4x2x80xi32, #tpu.memory_space<vmem>> -> memref<1x2x80xi32, #tpu.memory_space<vmem>>
        %dma_wait3A_247 = tpu.memref_squeeze %dma_wait3A_246 : memref<1x2x80xi32, #tpu.memory_space<vmem>> -> memref<2x80xi32, #tpu.memory_space<vmem>>
        %dma_wait3A_248 = arith.constant 0 : i32
        %dma_wait3A_249 = arith.constant 0 : i32
        %dma_wait3A_250 = tpu.memref_slice %arg3[%arg0, %arg1, %add3A_152, %dma_wait3A_248, %dma_wait3A_249] : memref<2x16x256x2x80xi32, #tpu.memory_space<hbm>> -> memref<1x1x1x2x80xi32, #tpu.memory_space<hbm>>
        %dma_wait3A_251 = tpu.memref_squeeze %dma_wait3A_250 : memref<1x1x1x2x80xi32, #tpu.memory_space<hbm>> -> memref<2x80xi32, #tpu.memory_space<hbm>>
        %dma_wait3A_252 = arith.constant 0 : i32
        %dma_wait3A_253 = arith.constant 0 : i32
        %dma_wait3A_254 = tpu.memref_slice %arg6[%dma_wait3A_243, %dma_wait3A_252, %dma_wait3A_253] : memref<4x2x80xi32, #tpu.memory_space<vmem>> -> memref<1x2x80xi32, #tpu.memory_space<vmem>>
        %dma_wait3A_255 = tpu.memref_squeeze %dma_wait3A_254 : memref<1x2x80xi32, #tpu.memory_space<vmem>> -> memref<2x80xi32, #tpu.memory_space<vmem>>
        %dma_wait3A_256 = arith.constant 0 : i32
        %dma_wait3A_257 = arith.constant 0 : i32
        %dma_wait3A_258 = tpu.memref_slice %arg3[%arg0, %arg1, %add3A_152, %dma_wait3A_256, %dma_wait3A_257] : memref<2x16x256x2x80xi32, #tpu.memory_space<hbm>> -> memref<1x1x1x2x80xi32, #tpu.memory_space<hbm>>
        %dma_wait3A_259 = tpu.memref_squeeze %dma_wait3A_258 : memref<1x1x1x2x80xi32, #tpu.memory_space<hbm>> -> memref<2x80xi32, #tpu.memory_space<hbm>>
        tpu.wait_dma2 semaphore(%arg14 : memref<!tpu.dma_semaphore, #tpu.memory_space<semaphore_mem>>) src(%dma_wait3A_259 : memref<2x80xi32, #tpu.memory_space<hbm>>) dst(%dma_wait3A_255 : memref<2x80xi32, #tpu.memory_space<vmem>>)
        %dma_start3A_260 = arith.constant 2 : i32
        %dma_start3A_261 = arith.constant 0 : i32
        %dma_start3A_262 = arith.constant 0 : i32
        %dma_start3A_263 = tpu.memref_slice %arg6[%dma_start3A_260, %dma_start3A_261, %dma_start3A_262] : memref<4x2x80xi32, #tpu.memory_space<vmem>> -> memref<1x1x80xi32, #tpu.memory_space<vmem>>
        %dma_start3A_264 = tpu.memref_squeeze %dma_start3A_263 : memref<1x1x80xi32, #tpu.memory_space<vmem>> -> memref<80xi32, #tpu.memory_space<vmem>>
        %dma_start3A_265 = arith.constant 0 : i32
        %dma_start3A_266 = arith.constant 0 : i32
        %dma_start3A_267 = tpu.memref_slice %arg2[%dma_start3A_265, %dma_start3A_266] : memref<10000x128xf32, #tpu.memory_space<hbm>> -> memref<10000x128xf32, #tpu.memory_space<hbm>>
        tpu.enqueue_indirect_dma source(%dma_start3A_267 : memref<10000x128xf32, #tpu.memory_space<hbm>>) target(%arg8 : memref<80x128xf32, #tpu.memory_space<vmem>>) offsets(%dma_start3A_264 : memref<80xi32, #tpu.memory_space<vmem>>) semaphore(%arg10 : memref<!tpu.dma_semaphore, #tpu.memory_space<semaphore_mem>>)
      } else {
      }
      %add3A_158 = arith.constant 4 : i32
      %add3A_159 = arith.addi %add3A_141, %add3A_158 : i32
      %lt3A_160 = arith.constant 256 : i32
      %lt3A_161 = arith.cmpi slt, %add3A_159, %lt3A_160 : i32
      %convert_element_type3A_162 = arith.extui %lt3A_161 : i1 to i32
      %cond3A_163 = arith.constant 0 : i32
      %cond3A_164 = arith.cmpi ne, %convert_element_type3A_162, %cond3A_163 : i32
      scf.if %cond3A_164 {
        %dma_start3A_243 = arith.constant 0 : i32
        %dma_start3A_244 = arith.constant 0 : i32
        %dma_start3A_245 = arith.constant 0 : i32
        %dma_start3A_246 = tpu.memref_slice %arg6[%dma_start3A_243, %dma_start3A_244, %dma_start3A_245] : memref<4x2x80xi32, #tpu.memory_space<vmem>> -> memref<1x2x80xi32, #tpu.memory_space<vmem>>
        %dma_start3A_247 = tpu.memref_squeeze %dma_start3A_246 : memref<1x2x80xi32, #tpu.memory_space<vmem>> -> memref<2x80xi32, #tpu.memory_space<vmem>>
        %dma_start3A_248 = arith.constant 0 : i32
        %dma_start3A_249 = arith.constant 0 : i32
        %dma_start3A_250 = tpu.memref_slice %arg3[%arg0, %arg1, %add3A_159, %dma_start3A_248, %dma_start3A_249] : memref<2x16x256x2x80xi32, #tpu.memory_space<hbm>> -> memref<1x1x1x2x80xi32, #tpu.memory_space<hbm>>
        %dma_start3A_251 = tpu.memref_squeeze %dma_start3A_250 : memref<1x1x1x2x80xi32, #tpu.memory_space<hbm>> -> memref<2x80xi32, #tpu.memory_space<hbm>>
        %dma_start3A_252 = arith.constant 0 : i32
        %dma_start3A_253 = arith.constant 0 : i32
        %dma_start3A_254 = tpu.memref_slice %arg6[%dma_start3A_243, %dma_start3A_252, %dma_start3A_253] : memref<4x2x80xi32, #tpu.memory_space<vmem>> -> memref<1x2x80xi32, #tpu.memory_space<vmem>>
        %dma_start3A_255 = tpu.memref_squeeze %dma_start3A_254 : memref<1x2x80xi32, #tpu.memory_space<vmem>> -> memref<2x80xi32, #tpu.memory_space<vmem>>
        %dma_start3A_256 = arith.constant 0 : i32
        %dma_start3A_257 = arith.constant 0 : i32
        %dma_start3A_258 = tpu.memref_slice %arg3[%arg0, %arg1, %add3A_159, %dma_start3A_256, %dma_start3A_257] : memref<2x16x256x2x80xi32, #tpu.memory_space<hbm>> -> memref<1x1x1x2x80xi32, #tpu.memory_space<hbm>>
        %dma_start3A_259 = tpu.memref_squeeze %dma_start3A_258 : memref<1x1x1x2x80xi32, #tpu.memory_space<hbm>> -> memref<2x80xi32, #tpu.memory_space<hbm>>
        tpu.enqueue_dma source(%dma_start3A_259 : memref<2x80xi32, #tpu.memory_space<hbm>>) target(%dma_start3A_255 : memref<2x80xi32, #tpu.memory_space<vmem>>) target_semaphore(%arg12 : memref<!tpu.dma_semaphore, #tpu.memory_space<semaphore_mem>>)
      } else {
      }
      %add3A_165 = arith.constant 1 : i32
      %add3A_166 = arith.addi %add3A_139, %add3A_165 : i32
      %dma_wait3A_167 = arith.constant 1 : i32
      %dma_wait3A_168 = arith.constant 0 : i32
      %dma_wait3A_169 = arith.constant 0 : i32
      %dma_wait3A_170 = tpu.memref_slice %arg6[%dma_wait3A_167, %dma_wait3A_168, %dma_wait3A_169] : memref<4x2x80xi32, #tpu.memory_space<vmem>> -> memref<1x1x80xi32, #tpu.memory_space<vmem>>
      %dma_wait3A_171 = tpu.memref_squeeze %dma_wait3A_170 : memref<1x1x80xi32, #tpu.memory_space<vmem>> -> memref<80xi32, #tpu.memory_space<vmem>>
      %dma_wait3A_172 = arith.constant 0 : i32
      %dma_wait3A_173 = arith.constant 0 : i32
      %dma_wait3A_174 = tpu.memref_slice %arg2[%dma_wait3A_172, %dma_wait3A_173] : memref<10000x128xf32, #tpu.memory_space<hbm>> -> memref<10000x128xf32, #tpu.memory_space<hbm>>
      tpu.wait_indirect_dma semaphore(%arg11 : memref<!tpu.dma_semaphore, #tpu.memory_space<semaphore_mem>>) src(%dma_wait3A_174 : memref<10000x128xf32, #tpu.memory_space<hbm>>) dst(%arg9 : memref<80x128xf32, #tpu.memory_space<vmem>>)
      %run_scoped3A_175 = arith.constant 1 : i32
      %run_scoped3A_176 = arith.constant 1 : i32
      "tpu.region"() ({
        %run_scoped3A_243 = tpu.sem_alloc : memref<!tpu.dma_semaphore, #tpu.memory_space<semaphore_mem>>
        %dma_start3A_244 = arith.constant 0 : i32
        %dma_start3A_245 = tpu.memref_slice %arg6[%run_scoped3A_175, %run_scoped3A_176, %dma_start3A_244] : memref<4x2x80xi32, #tpu.memory_space<vmem>> -> memref<1x1x80xi32, #tpu.memory_space<vmem>>
        %dma_start3A_246 = tpu.memref_squeeze %dma_start3A_245 : memref<1x1x80xi32, #tpu.memory_space<vmem>> -> memref<80xi32, #tpu.memory_space<vmem>>
        %dma_start3A_247 = arith.constant 0 : i32
        %dma_start3A_248 = arith.constant 0 : i32
        %dma_start3A_249 = tpu.memref_slice %arg7[%dma_start3A_247, %dma_start3A_248] : memref<5184x128xf32, #tpu.memory_space<vmem_shared>> -> memref<5184x128xf32, #tpu.memory_space<vmem_shared>>
        tpu.enqueue_indirect_dma source(%arg9 : memref<80x128xf32, #tpu.memory_space<vmem>>) target(%dma_start3A_249 : memref<5184x128xf32, #tpu.memory_space<vmem_shared>>) offsets(%dma_start3A_246 : memref<80xi32, #tpu.memory_space<vmem>>) semaphore(%run_scoped3A_243 : memref<!tpu.dma_semaphore, #tpu.memory_space<semaphore_mem>>) {add = true}
        %dma_wait3A_250 = arith.constant 0 : i32
        %dma_wait3A_251 = tpu.memref_slice %arg6[%run_scoped3A_175, %run_scoped3A_176, %dma_wait3A_250] : memref<4x2x80xi32, #tpu.memory_space<vmem>> -> memref<1x1x80xi32, #tpu.memory_space<vmem>>
        %dma_wait3A_252 = tpu.memref_squeeze %dma_wait3A_251 : memref<1x1x80xi32, #tpu.memory_space<vmem>> -> memref<80xi32, #tpu.memory_space<vmem>>
        %dma_wait3A_253 = arith.constant 0 : i32
        %dma_wait3A_254 = arith.constant 0 : i32
        %dma_wait3A_255 = tpu.memref_slice %arg7[%dma_wait3A_253, %dma_wait3A_254] : memref<5184x128xf32, #tpu.memory_space<vmem_shared>> -> memref<5184x128xf32, #tpu.memory_space<vmem_shared>>
        tpu.wait_indirect_dma semaphore(%run_scoped3A_243 : memref<!tpu.dma_semaphore, #tpu.memory_space<semaphore_mem>>) src(%arg9 : memref<80x128xf32, #tpu.memory_space<vmem>>) dst(%dma_wait3A_255 : memref<5184x128xf32, #tpu.memory_space<vmem_shared>>)
        tpu.yield
      }) : () -> ()
      %add3A_177 = arith.constant 2 : i32
      %add3A_178 = arith.addi %add3A_166, %add3A_177 : i32
      %lt3A_179 = arith.constant 256 : i32
      %lt3A_180 = arith.cmpi slt, %add3A_178, %lt3A_179 : i32
      %convert_element_type3A_181 = arith.extui %lt3A_180 : i1 to i32
      %cond3A_182 = arith.constant 0 : i32
      %cond3A_183 = arith.cmpi ne, %convert_element_type3A_181, %cond3A_182 : i32
      scf.if %cond3A_183 {
        %dma_wait3A_243 = arith.constant 3 : i32
        %dma_wait3A_244 = arith.constant 0 : i32
        %dma_wait3A_245 = arith.constant 0 : i32
        %dma_wait3A_246 = tpu.memref_slice %arg6[%dma_wait3A_243, %dma_wait3A_244, %dma_wait3A_245] : memref<4x2x80xi32, #tpu.memory_space<vmem>> -> memref<1x2x80xi32, #tpu.memory_space<vmem>>
        %dma_wait3A_247 = tpu.memref_squeeze %dma_wait3A_246 : memref<1x2x80xi32, #tpu.memory_space<vmem>> -> memref<2x80xi32, #tpu.memory_space<vmem>>
        %dma_wait3A_248 = arith.constant 0 : i32
        %dma_wait3A_249 = arith.constant 0 : i32
        %dma_wait3A_250 = tpu.memref_slice %arg3[%arg0, %arg1, %add3A_178, %dma_wait3A_248, %dma_wait3A_249] : memref<2x16x256x2x80xi32, #tpu.memory_space<hbm>> -> memref<1x1x1x2x80xi32, #tpu.memory_space<hbm>>
        %dma_wait3A_251 = tpu.memref_squeeze %dma_wait3A_250 : memref<1x1x1x2x80xi32, #tpu.memory_space<hbm>> -> memref<2x80xi32, #tpu.memory_space<hbm>>
        %dma_wait3A_252 = arith.constant 0 : i32
        %dma_wait3A_253 = arith.constant 0 : i32
        %dma_wait3A_254 = tpu.memref_slice %arg6[%dma_wait3A_243, %dma_wait3A_252, %dma_wait3A_253] : memref<4x2x80xi32, #tpu.memory_space<vmem>> -> memref<1x2x80xi32, #tpu.memory_space<vmem>>
        %dma_wait3A_255 = tpu.memref_squeeze %dma_wait3A_254 : memref<1x2x80xi32, #tpu.memory_space<vmem>> -> memref<2x80xi32, #tpu.memory_space<vmem>>
        %dma_wait3A_256 = arith.constant 0 : i32
        %dma_wait3A_257 = arith.constant 0 : i32
        %dma_wait3A_258 = tpu.memref_slice %arg3[%arg0, %arg1, %add3A_178, %dma_wait3A_256, %dma_wait3A_257] : memref<2x16x256x2x80xi32, #tpu.memory_space<hbm>> -> memref<1x1x1x2x80xi32, #tpu.memory_space<hbm>>
        %dma_wait3A_259 = tpu.memref_squeeze %dma_wait3A_258 : memref<1x1x1x2x80xi32, #tpu.memory_space<hbm>> -> memref<2x80xi32, #tpu.memory_space<hbm>>
        tpu.wait_dma2 semaphore(%arg15 : memref<!tpu.dma_semaphore, #tpu.memory_space<semaphore_mem>>) src(%dma_wait3A_259 : memref<2x80xi32, #tpu.memory_space<hbm>>) dst(%dma_wait3A_255 : memref<2x80xi32, #tpu.memory_space<vmem>>)
        %dma_start3A_260 = arith.constant 3 : i32
        %dma_start3A_261 = arith.constant 0 : i32
        %dma_start3A_262 = arith.constant 0 : i32
        %dma_start3A_263 = tpu.memref_slice %arg6[%dma_start3A_260, %dma_start3A_261, %dma_start3A_262] : memref<4x2x80xi32, #tpu.memory_space<vmem>> -> memref<1x1x80xi32, #tpu.memory_space<vmem>>
        %dma_start3A_264 = tpu.memref_squeeze %dma_start3A_263 : memref<1x1x80xi32, #tpu.memory_space<vmem>> -> memref<80xi32, #tpu.memory_space<vmem>>
        %dma_start3A_265 = arith.constant 0 : i32
        %dma_start3A_266 = arith.constant 0 : i32
        %dma_start3A_267 = tpu.memref_slice %arg2[%dma_start3A_265, %dma_start3A_266] : memref<10000x128xf32, #tpu.memory_space<hbm>> -> memref<10000x128xf32, #tpu.memory_space<hbm>>
        tpu.enqueue_indirect_dma source(%dma_start3A_267 : memref<10000x128xf32, #tpu.memory_space<hbm>>) target(%arg9 : memref<80x128xf32, #tpu.memory_space<vmem>>) offsets(%dma_start3A_264 : memref<80xi32, #tpu.memory_space<vmem>>) semaphore(%arg11 : memref<!tpu.dma_semaphore, #tpu.memory_space<semaphore_mem>>)
      } else {
      }
      %add3A_184 = arith.constant 4 : i32
      %add3A_185 = arith.addi %add3A_166, %add3A_184 : i32
      %lt3A_186 = arith.constant 256 : i32
      %lt3A_187 = arith.cmpi slt, %add3A_185, %lt3A_186 : i32
      %convert_element_type3A_188 = arith.extui %lt3A_187 : i1 to i32
      %cond3A_189 = arith.constant 0 : i32
      %cond3A_190 = arith.cmpi ne, %convert_element_type3A_188, %cond3A_189 : i32
      scf.if %cond3A_190 {
        %dma_start3A_243 = arith.constant 1 : i32
        %dma_start3A_244 = arith.constant 0 : i32
        %dma_start3A_245 = arith.constant 0 : i32
        %dma_start3A_246 = tpu.memref_slice %arg6[%dma_start3A_243, %dma_start3A_244, %dma_start3A_245] : memref<4x2x80xi32, #tpu.memory_space<vmem>> -> memref<1x2x80xi32, #tpu.memory_space<vmem>>
        %dma_start3A_247 = tpu.memref_squeeze %dma_start3A_246 : memref<1x2x80xi32, #tpu.memory_space<vmem>> -> memref<2x80xi32, #tpu.memory_space<vmem>>
        %dma_start3A_248 = arith.constant 0 : i32
        %dma_start3A_249 = arith.constant 0 : i32
        %dma_start3A_250 = tpu.memref_slice %arg3[%arg0, %arg1, %add3A_185, %dma_start3A_248, %dma_start3A_249] : memref<2x16x256x2x80xi32, #tpu.memory_space<hbm>> -> memref<1x1x1x2x80xi32, #tpu.memory_space<hbm>>
        %dma_start3A_251 = tpu.memref_squeeze %dma_start3A_250 : memref<1x1x1x2x80xi32, #tpu.memory_space<hbm>> -> memref<2x80xi32, #tpu.memory_space<hbm>>
        %dma_start3A_252 = arith.constant 0 : i32
        %dma_start3A_253 = arith.constant 0 : i32
        %dma_start3A_254 = tpu.memref_slice %arg6[%dma_start3A_243, %dma_start3A_252, %dma_start3A_253] : memref<4x2x80xi32, #tpu.memory_space<vmem>> -> memref<1x2x80xi32, #tpu.memory_space<vmem>>
        %dma_start3A_255 = tpu.memref_squeeze %dma_start3A_254 : memref<1x2x80xi32, #tpu.memory_space<vmem>> -> memref<2x80xi32, #tpu.memory_space<vmem>>
        %dma_start3A_256 = arith.constant 0 : i32
        %dma_start3A_257 = arith.constant 0 : i32
        %dma_start3A_258 = tpu.memref_slice %arg3[%arg0, %arg1, %add3A_185, %dma_start3A_256, %dma_start3A_257] : memref<2x16x256x2x80xi32, #tpu.memory_space<hbm>> -> memref<1x1x1x2x80xi32, #tpu.memory_space<hbm>>
        %dma_start3A_259 = tpu.memref_squeeze %dma_start3A_258 : memref<1x1x1x2x80xi32, #tpu.memory_space<hbm>> -> memref<2x80xi32, #tpu.memory_space<hbm>>
        tpu.enqueue_dma source(%dma_start3A_259 : memref<2x80xi32, #tpu.memory_space<hbm>>) target(%dma_start3A_255 : memref<2x80xi32, #tpu.memory_space<vmem>>) target_semaphore(%arg13 : memref<!tpu.dma_semaphore, #tpu.memory_space<semaphore_mem>>)
      } else {
      }
      %add3A_191 = arith.constant 2 : i32
      %add3A_192 = arith.addi %add3A_139, %add3A_191 : i32
      %dma_wait3A_193 = arith.constant 2 : i32
      %dma_wait3A_194 = arith.constant 0 : i32
      %dma_wait3A_195 = arith.constant 0 : i32
      %dma_wait3A_196 = tpu.memref_slice %arg6[%dma_wait3A_193, %dma_wait3A_194, %dma_wait3A_195] : memref<4x2x80xi32, #tpu.memory_space<vmem>> -> memref<1x1x80xi32, #tpu.memory_space<vmem>>
      %dma_wait3A_197 = tpu.memref_squeeze %dma_wait3A_196 : memref<1x1x80xi32, #tpu.memory_space<vmem>> -> memref<80xi32, #tpu.memory_space<vmem>>
      %dma_wait3A_198 = arith.constant 0 : i32
      %dma_wait3A_199 = arith.constant 0 : i32
      %dma_wait3A_200 = tpu.memref_slice %arg2[%dma_wait3A_198, %dma_wait3A_199] : memref<10000x128xf32, #tpu.memory_space<hbm>> -> memref<10000x128xf32, #tpu.memory_space<hbm>>
      tpu.wait_indirect_dma semaphore(%arg10 : memref<!tpu.dma_semaphore, #tpu.memory_space<semaphore_mem>>) src(%dma_wait3A_200 : memref<10000x128xf32, #tpu.memory_space<hbm>>) dst(%arg8 : memref<80x128xf32, #tpu.memory_space<vmem>>)
      %run_scoped3A_201 = arith.constant 2 : i32
      %run_scoped3A_202 = arith.constant 1 : i32
      "tpu.region"() ({
        %run_scoped3A_243 = tpu.sem_alloc : memref<!tpu.dma_semaphore, #tpu.memory_space<semaphore_mem>>
        %dma_start3A_244 = arith.constant 0 : i32
        %dma_start3A_245 = tpu.memref_slice %arg6[%run_scoped3A_201, %run_scoped3A_202, %dma_start3A_244] : memref<4x2x80xi32, #tpu.memory_space<vmem>> -> memref<1x1x80xi32, #tpu.memory_space<vmem>>
        %dma_start3A_246 = tpu.memref_squeeze %dma_start3A_245 : memref<1x1x80xi32, #tpu.memory_space<vmem>> -> memref<80xi32, #tpu.memory_space<vmem>>
        %dma_start3A_247 = arith.constant 0 : i32
        %dma_start3A_248 = arith.constant 0 : i32
        %dma_start3A_249 = tpu.memref_slice %arg7[%dma_start3A_247, %dma_start3A_248] : memref<5184x128xf32, #tpu.memory_space<vmem_shared>> -> memref<5184x128xf32, #tpu.memory_space<vmem_shared>>
        tpu.enqueue_indirect_dma source(%arg8 : memref<80x128xf32, #tpu.memory_space<vmem>>) target(%dma_start3A_249 : memref<5184x128xf32, #tpu.memory_space<vmem_shared>>) offsets(%dma_start3A_246 : memref<80xi32, #tpu.memory_space<vmem>>) semaphore(%run_scoped3A_243 : memref<!tpu.dma_semaphore, #tpu.memory_space<semaphore_mem>>) {add = true}
        %dma_wait3A_250 = arith.constant 0 : i32
        %dma_wait3A_251 = tpu.memref_slice %arg6[%run_scoped3A_201, %run_scoped3A_202, %dma_wait3A_250] : memref<4x2x80xi32, #tpu.memory_space<vmem>> -> memref<1x1x80xi32, #tpu.memory_space<vmem>>
        %dma_wait3A_252 = tpu.memref_squeeze %dma_wait3A_251 : memref<1x1x80xi32, #tpu.memory_space<vmem>> -> memref<80xi32, #tpu.memory_space<vmem>>
        %dma_wait3A_253 = arith.constant 0 : i32
        %dma_wait3A_254 = arith.constant 0 : i32
        %dma_wait3A_255 = tpu.memref_slice %arg7[%dma_wait3A_253, %dma_wait3A_254] : memref<5184x128xf32, #tpu.memory_space<vmem_shared>> -> memref<5184x128xf32, #tpu.memory_space<vmem_shared>>
        tpu.wait_indirect_dma semaphore(%run_scoped3A_243 : memref<!tpu.dma_semaphore, #tpu.memory_space<semaphore_mem>>) src(%arg8 : memref<80x128xf32, #tpu.memory_space<vmem>>) dst(%dma_wait3A_255 : memref<5184x128xf32, #tpu.memory_space<vmem_shared>>)
        tpu.yield
      }) : () -> ()
      %add3A_203 = arith.constant 2 : i32
      %add3A_204 = arith.addi %add3A_192, %add3A_203 : i32
      %lt3A_205 = arith.constant 256 : i32
      %lt3A_206 = arith.cmpi slt, %add3A_204, %lt3A_205 : i32
      %convert_element_type3A_207 = arith.extui %lt3A_206 : i1 to i32
      %cond3A_208 = arith.constant 0 : i32
      %cond3A_209 = arith.cmpi ne, %convert_element_type3A_207, %cond3A_208 : i32
      scf.if %cond3A_209 {
        %dma_wait3A_243 = arith.constant 0 : i32
        %dma_wait3A_244 = arith.constant 0 : i32
        %dma_wait3A_245 = arith.constant 0 : i32
        %dma_wait3A_246 = tpu.memref_slice %arg6[%dma_wait3A_243, %dma_wait3A_244, %dma_wait3A_245] : memref<4x2x80xi32, #tpu.memory_space<vmem>> -> memref<1x2x80xi32, #tpu.memory_space<vmem>>
        %dma_wait3A_247 = tpu.memref_squeeze %dma_wait3A_246 : memref<1x2x80xi32, #tpu.memory_space<vmem>> -> memref<2x80xi32, #tpu.memory_space<vmem>>
        %dma_wait3A_248 = arith.constant 0 : i32
        %dma_wait3A_249 = arith.constant 0 : i32
        %dma_wait3A_250 = tpu.memref_slice %arg3[%arg0, %arg1, %add3A_204, %dma_wait3A_248, %dma_wait3A_249] : memref<2x16x256x2x80xi32, #tpu.memory_space<hbm>> -> memref<1x1x1x2x80xi32, #tpu.memory_space<hbm>>
        %dma_wait3A_251 = tpu.memref_squeeze %dma_wait3A_250 : memref<1x1x1x2x80xi32, #tpu.memory_space<hbm>> -> memref<2x80xi32, #tpu.memory_space<hbm>>
        %dma_wait3A_252 = arith.constant 0 : i32
        %dma_wait3A_253 = arith.constant 0 : i32
        %dma_wait3A_254 = tpu.memref_slice %arg6[%dma_wait3A_243, %dma_wait3A_252, %dma_wait3A_253] : memref<4x2x80xi32, #tpu.memory_space<vmem>> -> memref<1x2x80xi32, #tpu.memory_space<vmem>>
        %dma_wait3A_255 = tpu.memref_squeeze %dma_wait3A_254 : memref<1x2x80xi32, #tpu.memory_space<vmem>> -> memref<2x80xi32, #tpu.memory_space<vmem>>
        %dma_wait3A_256 = arith.constant 0 : i32
        %dma_wait3A_257 = arith.constant 0 : i32
        %dma_wait3A_258 = tpu.memref_slice %arg3[%arg0, %arg1, %add3A_204, %dma_wait3A_256, %dma_wait3A_257] : memref<2x16x256x2x80xi32, #tpu.memory_space<hbm>> -> memref<1x1x1x2x80xi32, #tpu.memory_space<hbm>>
        %dma_wait3A_259 = tpu.memref_squeeze %dma_wait3A_258 : memref<1x1x1x2x80xi32, #tpu.memory_space<hbm>> -> memref<2x80xi32, #tpu.memory_space<hbm>>
        tpu.wait_dma2 semaphore(%arg12 : memref<!tpu.dma_semaphore, #tpu.memory_space<semaphore_mem>>) src(%dma_wait3A_259 : memref<2x80xi32, #tpu.memory_space<hbm>>) dst(%dma_wait3A_255 : memref<2x80xi32, #tpu.memory_space<vmem>>)
        %dma_start3A_260 = arith.constant 0 : i32
        %dma_start3A_261 = arith.constant 0 : i32
        %dma_start3A_262 = arith.constant 0 : i32
        %dma_start3A_263 = tpu.memref_slice %arg6[%dma_start3A_260, %dma_start3A_261, %dma_start3A_262] : memref<4x2x80xi32, #tpu.memory_space<vmem>> -> memref<1x1x80xi32, #tpu.memory_space<vmem>>
        %dma_start3A_264 = tpu.memref_squeeze %dma_start3A_263 : memref<1x1x80xi32, #tpu.memory_space<vmem>> -> memref<80xi32, #tpu.memory_space<vmem>>
        %dma_start3A_265 = arith.constant 0 : i32
        %dma_start3A_266 = arith.constant 0 : i32
        %dma_start3A_267 = tpu.memref_slice %arg2[%dma_start3A_265, %dma_start3A_266] : memref<10000x128xf32, #tpu.memory_space<hbm>> -> memref<10000x128xf32, #tpu.memory_space<hbm>>
        tpu.enqueue_indirect_dma source(%dma_start3A_267 : memref<10000x128xf32, #tpu.memory_space<hbm>>) target(%arg8 : memref<80x128xf32, #tpu.memory_space<vmem>>) offsets(%dma_start3A_264 : memref<80xi32, #tpu.memory_space<vmem>>) semaphore(%arg10 : memref<!tpu.dma_semaphore, #tpu.memory_space<semaphore_mem>>)
      } else {
      }
      %add3A_210 = arith.constant 4 : i32
      %add3A_211 = arith.addi %add3A_192, %add3A_210 : i32
      %lt3A_212 = arith.constant 256 : i32
      %lt3A_213 = arith.cmpi slt, %add3A_211, %lt3A_212 : i32
      %convert_element_type3A_214 = arith.extui %lt3A_213 : i1 to i32
      %cond3A_215 = arith.constant 0 : i32
      %cond3A_216 = arith.cmpi ne, %convert_element_type3A_214, %cond3A_215 : i32
      scf.if %cond3A_216 {
        %dma_start3A_243 = arith.constant 2 : i32
        %dma_start3A_244 = arith.constant 0 : i32
        %dma_start3A_245 = arith.constant 0 : i32
        %dma_start3A_246 = tpu.memref_slice %arg6[%dma_start3A_243, %dma_start3A_244, %dma_start3A_245] : memref<4x2x80xi32, #tpu.memory_space<vmem>> -> memref<1x2x80xi32, #tpu.memory_space<vmem>>
        %dma_start3A_247 = tpu.memref_squeeze %dma_start3A_246 : memref<1x2x80xi32, #tpu.memory_space<vmem>> -> memref<2x80xi32, #tpu.memory_space<vmem>>
        %dma_start3A_248 = arith.constant 0 : i32
        %dma_start3A_249 = arith.constant 0 : i32
        %dma_start3A_250 = tpu.memref_slice %arg3[%arg0, %arg1, %add3A_211, %dma_start3A_248, %dma_start3A_249] : memref<2x16x256x2x80xi32, #tpu.memory_space<hbm>> -> memref<1x1x1x2x80xi32, #tpu.memory_space<hbm>>
        %dma_start3A_251 = tpu.memref_squeeze %dma_start3A_250 : memref<1x1x1x2x80xi32, #tpu.memory_space<hbm>> -> memref<2x80xi32, #tpu.memory_space<hbm>>
        %dma_start3A_252 = arith.constant 0 : i32
        %dma_start3A_253 = arith.constant 0 : i32
        %dma_start3A_254 = tpu.memref_slice %arg6[%dma_start3A_243, %dma_start3A_252, %dma_start3A_253] : memref<4x2x80xi32, #tpu.memory_space<vmem>> -> memref<1x2x80xi32, #tpu.memory_space<vmem>>
        %dma_start3A_255 = tpu.memref_squeeze %dma_start3A_254 : memref<1x2x80xi32, #tpu.memory_space<vmem>> -> memref<2x80xi32, #tpu.memory_space<vmem>>
        %dma_start3A_256 = arith.constant 0 : i32
        %dma_start3A_257 = arith.constant 0 : i32
        %dma_start3A_258 = tpu.memref_slice %arg3[%arg0, %arg1, %add3A_211, %dma_start3A_256, %dma_start3A_257] : memref<2x16x256x2x80xi32, #tpu.memory_space<hbm>> -> memref<1x1x1x2x80xi32, #tpu.memory_space<hbm>>
        %dma_start3A_259 = tpu.memref_squeeze %dma_start3A_258 : memref<1x1x1x2x80xi32, #tpu.memory_space<hbm>> -> memref<2x80xi32, #tpu.memory_space<hbm>>
        tpu.enqueue_dma source(%dma_start3A_259 : memref<2x80xi32, #tpu.memory_space<hbm>>) target(%dma_start3A_255 : memref<2x80xi32, #tpu.memory_space<vmem>>) target_semaphore(%arg14 : memref<!tpu.dma_semaphore, #tpu.memory_space<semaphore_mem>>)
      } else {
      }
      %add3A_217 = arith.constant 3 : i32
      %add3A_218 = arith.addi %add3A_139, %add3A_217 : i32
      %dma_wait3A_219 = arith.constant 3 : i32
      %dma_wait3A_220 = arith.constant 0 : i32
      %dma_wait3A_221 = arith.constant 0 : i32
      %dma_wait3A_222 = tpu.memref_slice %arg6[%dma_wait3A_219, %dma_wait3A_220, %dma_wait3A_221] : memref<4x2x80xi32, #tpu.memory_space<vmem>> -> memref<1x1x80xi32, #tpu.memory_space<vmem>>
      %dma_wait3A_223 = tpu.memref_squeeze %dma_wait3A_222 : memref<1x1x80xi32, #tpu.memory_space<vmem>> -> memref<80xi32, #tpu.memory_space<vmem>>
      %dma_wait3A_224 = arith.constant 0 : i32
      %dma_wait3A_225 = arith.constant 0 : i32
      %dma_wait3A_226 = tpu.memref_slice %arg2[%dma_wait3A_224, %dma_wait3A_225] : memref<10000x128xf32, #tpu.memory_space<hbm>> -> memref<10000x128xf32, #tpu.memory_space<hbm>>
      tpu.wait_indirect_dma semaphore(%arg11 : memref<!tpu.dma_semaphore, #tpu.memory_space<semaphore_mem>>) src(%dma_wait3A_226 : memref<10000x128xf32, #tpu.memory_space<hbm>>) dst(%arg9 : memref<80x128xf32, #tpu.memory_space<vmem>>)
      %run_scoped3A_227 = arith.constant 3 : i32
      %run_scoped3A_228 = arith.constant 1 : i32
      "tpu.region"() ({
        %run_scoped3A_243 = tpu.sem_alloc : memref<!tpu.dma_semaphore, #tpu.memory_space<semaphore_mem>>
        %dma_start3A_244 = arith.constant 0 : i32
        %dma_start3A_245 = tpu.memref_slice %arg6[%run_scoped3A_227, %run_scoped3A_228, %dma_start3A_244] : memref<4x2x80xi32, #tpu.memory_space<vmem>> -> memref<1x1x80xi32, #tpu.memory_space<vmem>>
        %dma_start3A_246 = tpu.memref_squeeze %dma_start3A_245 : memref<1x1x80xi32, #tpu.memory_space<vmem>> -> memref<80xi32, #tpu.memory_space<vmem>>
        %dma_start3A_247 = arith.constant 0 : i32
        %dma_start3A_248 = arith.constant 0 : i32
        %dma_start3A_249 = tpu.memref_slice %arg7[%dma_start3A_247, %dma_start3A_248] : memref<5184x128xf32, #tpu.memory_space<vmem_shared>> -> memref<5184x128xf32, #tpu.memory_space<vmem_shared>>
        tpu.enqueue_indirect_dma source(%arg9 : memref<80x128xf32, #tpu.memory_space<vmem>>) target(%dma_start3A_249 : memref<5184x128xf32, #tpu.memory_space<vmem_shared>>) offsets(%dma_start3A_246 : memref<80xi32, #tpu.memory_space<vmem>>) semaphore(%run_scoped3A_243 : memref<!tpu.dma_semaphore, #tpu.memory_space<semaphore_mem>>) {add = true}
        %dma_wait3A_250 = arith.constant 0 : i32
        %dma_wait3A_251 = tpu.memref_slice %arg6[%run_scoped3A_227, %run_scoped3A_228, %dma_wait3A_250] : memref<4x2x80xi32, #tpu.memory_space<vmem>> -> memref<1x1x80xi32, #tpu.memory_space<vmem>>
        %dma_wait3A_252 = tpu.memref_squeeze %dma_wait3A_251 : memref<1x1x80xi32, #tpu.memory_space<vmem>> -> memref<80xi32, #tpu.memory_space<vmem>>
        %dma_wait3A_253 = arith.constant 0 : i32
        %dma_wait3A_254 = arith.constant 0 : i32
        %dma_wait3A_255 = tpu.memref_slice %arg7[%dma_wait3A_253, %dma_wait3A_254] : memref<5184x128xf32, #tpu.memory_space<vmem_shared>> -> memref<5184x128xf32, #tpu.memory_space<vmem_shared>>
        tpu.wait_indirect_dma semaphore(%run_scoped3A_243 : memref<!tpu.dma_semaphore, #tpu.memory_space<semaphore_mem>>) src(%arg9 : memref<80x128xf32, #tpu.memory_space<vmem>>) dst(%dma_wait3A_255 : memref<5184x128xf32, #tpu.memory_space<vmem_shared>>)
        tpu.yield
      }) : () -> ()
      %add3A_229 = arith.constant 2 : i32
      %add3A_230 = arith.addi %add3A_218, %add3A_229 : i32
      %lt3A_231 = arith.constant 256 : i32
      %lt3A_232 = arith.cmpi slt, %add3A_230, %lt3A_231 : i32
      %convert_element_type3A_233 = arith.extui %lt3A_232 : i1 to i32
      %cond3A_234 = arith.constant 0 : i32
      %cond3A_235 = arith.cmpi ne, %convert_element_type3A_233, %cond3A_234 : i32
      scf.if %cond3A_235 {
        %dma_wait3A_243 = arith.constant 1 : i32
        %dma_wait3A_244 = arith.constant 0 : i32
        %dma_wait3A_245 = arith.constant 0 : i32
        %dma_wait3A_246 = tpu.memref_slice %arg6[%dma_wait3A_243, %dma_wait3A_244, %dma_wait3A_245] : memref<4x2x80xi32, #tpu.memory_space<vmem>> -> memref<1x2x80xi32, #tpu.memory_space<vmem>>
        %dma_wait3A_247 = tpu.memref_squeeze %dma_wait3A_246 : memref<1x2x80xi32, #tpu.memory_space<vmem>> -> memref<2x80xi32, #tpu.memory_space<vmem>>
        %dma_wait3A_248 = arith.constant 0 : i32
        %dma_wait3A_249 = arith.constant 0 : i32
        %dma_wait3A_250 = tpu.memref_slice %arg3[%arg0, %arg1, %add3A_230, %dma_wait3A_248, %dma_wait3A_249] : memref<2x16x256x2x80xi32, #tpu.memory_space<hbm>> -> memref<1x1x1x2x80xi32, #tpu.memory_space<hbm>>
        %dma_wait3A_251 = tpu.memref_squeeze %dma_wait3A_250 : memref<1x1x1x2x80xi32, #tpu.memory_space<hbm>> -> memref<2x80xi32, #tpu.memory_space<hbm>>
        %dma_wait3A_252 = arith.constant 0 : i32
        %dma_wait3A_253 = arith.constant 0 : i32
        %dma_wait3A_254 = tpu.memref_slice %arg6[%dma_wait3A_243, %dma_wait3A_252, %dma_wait3A_253] : memref<4x2x80xi32, #tpu.memory_space<vmem>> -> memref<1x2x80xi32, #tpu.memory_space<vmem>>
        %dma_wait3A_255 = tpu.memref_squeeze %dma_wait3A_254 : memref<1x2x80xi32, #tpu.memory_space<vmem>> -> memref<2x80xi32, #tpu.memory_space<vmem>>
        %dma_wait3A_256 = arith.constant 0 : i32
        %dma_wait3A_257 = arith.constant 0 : i32
        %dma_wait3A_258 = tpu.memref_slice %arg3[%arg0, %arg1, %add3A_230, %dma_wait3A_256, %dma_wait3A_257] : memref<2x16x256x2x80xi32, #tpu.memory_space<hbm>> -> memref<1x1x1x2x80xi32, #tpu.memory_space<hbm>>
        %dma_wait3A_259 = tpu.memref_squeeze %dma_wait3A_258 : memref<1x1x1x2x80xi32, #tpu.memory_space<hbm>> -> memref<2x80xi32, #tpu.memory_space<hbm>>
        tpu.wait_dma2 semaphore(%arg13 : memref<!tpu.dma_semaphore, #tpu.memory_space<semaphore_mem>>) src(%dma_wait3A_259 : memref<2x80xi32, #tpu.memory_space<hbm>>) dst(%dma_wait3A_255 : memref<2x80xi32, #tpu.memory_space<vmem>>)
        %dma_start3A_260 = arith.constant 1 : i32
        %dma_start3A_261 = arith.constant 0 : i32
        %dma_start3A_262 = arith.constant 0 : i32
        %dma_start3A_263 = tpu.memref_slice %arg6[%dma_start3A_260, %dma_start3A_261, %dma_start3A_262] : memref<4x2x80xi32, #tpu.memory_space<vmem>> -> memref<1x1x80xi32, #tpu.memory_space<vmem>>
        %dma_start3A_264 = tpu.memref_squeeze %dma_start3A_263 : memref<1x1x80xi32, #tpu.memory_space<vmem>> -> memref<80xi32, #tpu.memory_space<vmem>>
        %dma_start3A_265 = arith.constant 0 : i32
        %dma_start3A_266 = arith.constant 0 : i32
        %dma_start3A_267 = tpu.memref_slice %arg2[%dma_start3A_265, %dma_start3A_266] : memref<10000x128xf32, #tpu.memory_space<hbm>> -> memref<10000x128xf32, #tpu.memory_space<hbm>>
        tpu.enqueue_indirect_dma source(%dma_start3A_267 : memref<10000x128xf32, #tpu.memory_space<hbm>>) target(%arg9 : memref<80x128xf32, #tpu.memory_space<vmem>>) offsets(%dma_start3A_264 : memref<80xi32, #tpu.memory_space<vmem>>) semaphore(%arg11 : memref<!tpu.dma_semaphore, #tpu.memory_space<semaphore_mem>>)
      } else {
      }
      %add3A_236 = arith.constant 4 : i32
      %add3A_237 = arith.addi %add3A_218, %add3A_236 : i32
      %lt3A_238 = arith.constant 256 : i32
      %lt3A_239 = arith.cmpi slt, %add3A_237, %lt3A_238 : i32
      %convert_element_type3A_240 = arith.extui %lt3A_239 : i1 to i32
      %cond3A_241 = arith.constant 0 : i32
      %cond3A_242 = arith.cmpi ne, %convert_element_type3A_240, %cond3A_241 : i32
      scf.if %cond3A_242 {
        %dma_start3A_243 = arith.constant 3 : i32
        %dma_start3A_244 = arith.constant 0 : i32
        %dma_start3A_245 = arith.constant 0 : i32
        %dma_start3A_246 = tpu.memref_slice %arg6[%dma_start3A_243, %dma_start3A_244, %dma_start3A_245] : memref<4x2x80xi32, #tpu.memory_space<vmem>> -> memref<1x2x80xi32, #tpu.memory_space<vmem>>
        %dma_start3A_247 = tpu.memref_squeeze %dma_start3A_246 : memref<1x2x80xi32, #tpu.memory_space<vmem>> -> memref<2x80xi32, #tpu.memory_space<vmem>>
        %dma_start3A_248 = arith.constant 0 : i32
        %dma_start3A_249 = arith.constant 0 : i32
        %dma_start3A_250 = tpu.memref_slice %arg3[%arg0, %arg1, %add3A_237, %dma_start3A_248, %dma_start3A_249] : memref<2x16x256x2x80xi32, #tpu.memory_space<hbm>> -> memref<1x1x1x2x80xi32, #tpu.memory_space<hbm>>
        %dma_start3A_251 = tpu.memref_squeeze %dma_start3A_250 : memref<1x1x1x2x80xi32, #tpu.memory_space<hbm>> -> memref<2x80xi32, #tpu.memory_space<hbm>>
        %dma_start3A_252 = arith.constant 0 : i32
        %dma_start3A_253 = arith.constant 0 : i32
        %dma_start3A_254 = tpu.memref_slice %arg6[%dma_start3A_243, %dma_start3A_252, %dma_start3A_253] : memref<4x2x80xi32, #tpu.memory_space<vmem>> -> memref<1x2x80xi32, #tpu.memory_space<vmem>>
        %dma_start3A_255 = tpu.memref_squeeze %dma_start3A_254 : memref<1x2x80xi32, #tpu.memory_space<vmem>> -> memref<2x80xi32, #tpu.memory_space<vmem>>
        %dma_start3A_256 = arith.constant 0 : i32
        %dma_start3A_257 = arith.constant 0 : i32
        %dma_start3A_258 = tpu.memref_slice %arg3[%arg0, %arg1, %add3A_237, %dma_start3A_256, %dma_start3A_257] : memref<2x16x256x2x80xi32, #tpu.memory_space<hbm>> -> memref<1x1x1x2x80xi32, #tpu.memory_space<hbm>>
        %dma_start3A_259 = tpu.memref_squeeze %dma_start3A_258 : memref<1x1x1x2x80xi32, #tpu.memory_space<hbm>> -> memref<2x80xi32, #tpu.memory_space<hbm>>
        tpu.enqueue_dma source(%dma_start3A_259 : memref<2x80xi32, #tpu.memory_space<hbm>>) target(%dma_start3A_255 : memref<2x80xi32, #tpu.memory_space<vmem>>) target_semaphore(%arg15 : memref<!tpu.dma_semaphore, #tpu.memory_space<semaphore_mem>>)
      } else {
      }
    }
    %scan3A_131 = arith.constant 64 : i32
    %barrier3A_132 = arith.constant 0 : index
    tpu.barrier barrier_id(%barrier3A_132)
    %mul3A = arith.constant 320 : i32
    %mul3A_133 = arith.muli %arg1, %mul3A : i32
    %mul3A_134 = arith.constant 320 : i32
    %mul3A_135 = arith.muli %arg1, %mul3A_134 : i32
    "tpu.region"() ({
      %run_scoped3A = tpu.sem_alloc : memref<!tpu.dma_semaphore, #tpu.memory_space<semaphore_mem>>
      %dma_start3A_136 = arith.constant 0 : i32
      %dma_start3A_137 = tpu.memref_slice %arg5[%arg0, %mul3A_135, %dma_start3A_136] : memref<2x5120x128xf32, #tpu.memory_space<hbm>> -> memref<1x320x128xf32, #tpu.memory_space<hbm>>
      %dma_start3A_138 = tpu.memref_squeeze %dma_start3A_137 : memref<1x320x128xf32, #tpu.memory_space<hbm>> -> memref<320x128xf32, #tpu.memory_space<hbm>>
      %dma_start3A_139 = arith.constant 0 : i32
      %dma_start3A_140 = tpu.memref_slice %arg7[%mul3A_133, %dma_start3A_139] : memref<5184x128xf32, #tpu.memory_space<vmem_shared>> -> memref<320x128xf32, #tpu.memory_space<vmem_shared>>
      tpu.enqueue_dma source(%dma_start3A_140 : memref<320x128xf32, #tpu.memory_space<vmem_shared>>) target(%dma_start3A_138 : memref<320x128xf32, #tpu.memory_space<hbm>>) target_semaphore(%run_scoped3A : memref<!tpu.dma_semaphore, #tpu.memory_space<semaphore_mem>>)
      %dma_wait3A_141 = arith.constant 0 : i32
      %dma_wait3A_142 = tpu.memref_slice %arg5[%arg0, %mul3A_135, %dma_wait3A_141] : memref<2x5120x128xf32, #tpu.memory_space<hbm>> -> memref<1x320x128xf32, #tpu.memory_space<hbm>>
      %dma_wait3A_143 = tpu.memref_squeeze %dma_wait3A_142 : memref<1x320x128xf32, #tpu.memory_space<hbm>> -> memref<320x128xf32, #tpu.memory_space<hbm>>
      %dma_wait3A_144 = arith.constant 0 : i32
      %dma_wait3A_145 = tpu.memref_slice %arg7[%mul3A_133, %dma_wait3A_144] : memref<5184x128xf32, #tpu.memory_space<vmem_shared>> -> memref<320x128xf32, #tpu.memory_space<vmem_shared>>
      tpu.wait_dma2 semaphore(%run_scoped3A : memref<!tpu.dma_semaphore, #tpu.memory_space<semaphore_mem>>) src(%dma_wait3A_145 : memref<320x128xf32, #tpu.memory_space<vmem_shared>>) dst(%dma_wait3A_143 : memref<320x128xf32, #tpu.memory_space<hbm>>)
      tpu.yield
    }) : () -> ()
    return
  }
}

</mosaic_0001>

<sc_bundles>
// kernel: _sc_aggregate.3.cloned.1.call-start
scs
__scs_entry_jumppad:
0x0: {  	(pc) =	sbr.rel $0x88, $3  }
0x1: {  	(tag) =	ssettag $0x0;
	lr =	simm.s32 $0x1  }
0x2: {  	[smem:$0x3F9E] =	sst lr;
	_ =	strace $0xD0000000  }
0x3: {  	_ = 	snop  }
0x4: {  	_ = 	snop  }
0x5: {  	_ = 	snop  }
0x6: {  	_ = 	snop  }
0x7: {  	_ = 	snop  }
__scs_overlays_trampoline_lowered:
0x8: {  	[smem:$0x3FAD] =	sst s0  }
0x9: {  	[smem:$0x3FAE] =	sst s1  }
0xa: {  	[smem:$0x3FAF] =	sst s2  }
0xb: {  	[smem:$0x3FB0] =	sst s3  }
0xc: {  	[smem:$0x3FB1] =	sst s4  }
0xd: {  	[smem:$0x3FB2] =	sst s5  }
0xe: {  	[smem:$0x3FB3] =	sst s6  }
0xf: {  	[smem:$0x3FB4] =	sst s7  }
0x10: {  	[smem:$0x3FB5] =	sst s8  }
0x11: {  	[smem:$0x3FB6] =	sst s9;
	s0 =	simm.s32 @!p0 $0x0  }
0x12: {  	s1 =	sld [smem:$0x3F9C];
	s0 =	simm.s32 @p0 $0x1  }
0x13: {  	[smem:$0x3FB7] =	sst s0;
	s0 =	simm.s32 @!p1 $0x0  }
0x14: {  	s2 =	sld [smem:$0x3F9B];
	s0 =	simm.s32 @p1 $0x1  }
0x15: {  	[smem:$0x3FB8] =	sst s0;
	s0 =	simm.s32 @!p2 $0x0  }
0x16: {  	s3 =	sld [smem:$0x3FDB];
	s0 =	simm.s32 @p2 $0x1  }
0x17: {  	s4 =	simm.s32 $0x1BF5;
	[smem:$0x3FBA] =	sst s0  }
0x18: {  	s0 =	sld [smem:$0x3F9D];
	_ =	swait.ge [sflag:s4], $0x0  }
0x19: {  	s7 =	sld [smem:$0x3F9E]  }
0x1a: {  	s8 =	sadd.s32 $0xFFFFE003, lr  }
0x1b: {  	s9 =	sadd.s32 $0xFFFFFEF7, lr;
	s5 =	simm.s32 $0xFFFFFFFF;
	p2 =	slt.u32 s8, $0xFFFFF086  }
0x1c: {  	p1 =	slt.u32 s9, $0xF7A;
	s5 =	simm.s32 @!p2 $0x0  }
0x1d: {  	s5 =	simm.s32 @p1 $0x1;
	p0 =	seq.s32 s7, s2  }
0x1e: {  	s7 =	smul.u32 @!p0 $0xF7A, s2;
	p2 =	seq.s32 @!p0 s5, $0x0  }
0x1f: {  	s9 =	smul.u32 $0xF7A, s1;
	s8 =	simm.s32 @!p0 $0x1BF5;
	p2 =	por !p2, p0  }
0x20: {  	[sflag:s8] =	ssyncset.s32 @!p0 $0xFFFFF086;
	s6 =	sadd.s32 @!p0 s3, s7;
	s7 =	simm.s32 @!p0 $0x108  }
0x21: {  	s3 =	sadd.s32 s3, s9;
	s6 =	sadd.s32 @!p0 $0x88, s6;
	s7 =	simm.s32 @p2 $0x1082  }
0x22: {  	[simem:s7], [sflag:s8] =	dma.local @!p0 [hbm:s6], $0xF7A  }
0x23: {  	s9 =	sor.u32 $0xD0000000, s2;
	s6 =	simm.s32 $0x108;
	_ =	swait.ge @!p0 [sflag:s8], $0x0  }
0x24: {  	s3 =	sadd.s32 $0x88, s3;
	s6 =	simm.s32 @!p1 $0x1082;
	[sflag:s4] =	ssyncset.s32 $0xFFFFF086  }
0x25: {  	[simem:s6], [sflag:s4] =	dma.local [hbm:s3], $0xF7A  }
0x26: {  	[smem:$0x3F9E] =	sst s1;
	(tag) =	ssettag s2;
	_ =	strace s9  }
0x27: {  	s1 =	sld [smem:$0x3FAE]  }
0x28: {  	s2 =	sld [smem:$0x3FAF]  }
0x29: {  	s4 =	sld [smem:$0x3FB1]  }
0x2a: {  	p0 =	seq.s32 s5, $0x0;
	s5 =	sld [smem:$0x3FB2]  }
0x2b: {  	s6 =	sld [smem:$0x3FB3]  }
0x2c: {  	s7 =	sld [smem:$0x3FB4]  }
0x2d: {  	s3 =	simm.s32 $0x108;
	s8 =	sld [smem:$0x3FB5]  }
0x2e: {  	s3 =	simm.s32 @!p0 $0x1082;
	s9 =	sld [smem:$0x3FB6]  }
0x2f: {  	lr =	sadd.s32 s0, s3;
	s0 =	sld [smem:$0x3FAD]  }
0x30: {  	s3 =	sld [smem:$0x3FB0]  }
0x31: {  	[smem:$0x3FB9] =	sst s10  }
0x32: {  	s10 =	sld [smem:$0x3FB7];
	_ =	sdelay $0x3  }
0x33: {  	p0 =	seq.s32 s10, $0x1;
	s10 =	sld [smem:$0x3FB9];
	_ =	sdelay $0x3  }
0x34: {  	[smem:$0x3FB9] =	sst s10  }
0x35: {  	s10 =	sld [smem:$0x3FB8];
	_ =	sdelay $0x3  }
0x36: {  	p1 =	seq.s32 s10, $0x1;
	s10 =	sld [smem:$0x3FB9];
	_ =	sdelay $0x3  }
0x37: {  	[smem:$0x3FB9] =	sst s10  }
0x38: {  	s10 =	sld [smem:$0x3FBA]  }
0x39: {  	_ = 	snop;
	(pc) =	sbr.ind lr, $3  }
0x3a: {  	_ = 	snop  }
0x3b: {  	_ = 	snop  }
0x3c: {  	p2 =	seq.s32 s10, $0x1;
	s10 =	sld [smem:$0x3FB9]  }
0x3d: {  	_ =	shalt  }
0x3e: {  	_ =	shalt  }
0x3f: {  	_ =	shalt  }
0x40: {  	_ =	shalt  }
0x41: {  	_ =	shalt  }
0x42: {  	_ =	shalt  }
0x43: {  	_ =	shalt  }
0x44: {  	_ =	shalt  }
0x45: {  	_ =	shalt  }
0x46: {  	_ =	shalt  }
0x47: {  	_ =	shalt  }
0x48: {  	_ =	shalt  }
0x49: {  	_ =	shalt  }
0x4a: {  	_ =	shalt  }
0x4b: {  	_ =	shalt  }
0x4c: {  	_ =	shalt  }
0x4d: {  	_ =	shalt  }
0x4e: {  	_ =	shalt  }
0x4f: {  	_ =	shalt  }
0x50: {  	_ =	shalt  }
0x51: {  	_ =	shalt  }
0x52: {  	_ =	shalt  }
0x53: {  	_ =	shalt  }
0x54: {  	_ =	shalt  }
0x55: {  	_ =	shalt  }
0x56: {  	_ =	shalt  }
0x57: {  	_ =	shalt  }
0x58: {  	_ =	shalt  }
0x59: {  	_ =	shalt  }
0x5a: {  	_ =	shalt  }
0x5b: {  	_ =	shalt  }
0x5c: {  	_ =	shalt  }
0x5d: {  	_ =	shalt  }
0x5e: {  	_ =	shalt  }
0x5f: {  	_ =	shalt  }
0x60: {  	_ =	shalt  }
0x61: {  	_ =	shalt  }
0x62: {  	_ =	shalt  }
0x63: {  	_ =	shalt  }
0x64: {  	_ =	shalt  }
0x65: {  	_ =	shalt  }
0x66: {  	_ =	shalt  }
0x67: {  	_ =	shalt  }
0x68: {  	_ =	shalt  }
0x69: {  	_ =	shalt  }
0x6a: {  	_ =	shalt  }
0x6b: {  	_ =	shalt  }
0x6c: {  	_ =	shalt  }
0x6d: {  	_ =	shalt  }
0x6e: {  	_ =	shalt  }
0x6f: {  	_ =	shalt  }
0x70: {  	_ =	shalt  }
0x71: {  	_ =	shalt  }
0x72: {  	_ =	shalt  }
0x73: {  	_ =	shalt  }
0x74: {  	_ =	shalt  }
0x75: {  	_ =	shalt  }
0x76: {  	_ =	shalt  }
0x77: {  	_ =	shalt  }
0x78: {  	_ =	shalt  }
0x79: {  	_ =	shalt  }
0x7a: {  	_ =	shalt  }
0x7b: {  	_ =	shalt  }
0x7c: {  	_ =	shalt  }
0x7d: {  	_ =	shalt  }
0x7e: {  	_ =	shalt  }
0x7f: {  	_ =	shalt  }
0x80: {  	_ =	shalt  }
0x81: {  	_ =	shalt  }
0x82: {  	_ =	shalt  }
0x83: {  	_ =	shalt  }
0x84: {  	_ =	shalt  }
0x85: {  	_ =	shalt  }
0x86: {  	_ =	shalt  }
0x87: {  	_ =	shalt  }
.Lfunc_end0:
.L_simem_size_0:
called_computation_lowered:
.L_overlay_start_0:
0x88: {  	s2 =	sld [smem:$0x3FD9]  }
0x89: {  	s3 =	sld [smem:$0x3FFE];
	_ =	sdelay $0x1  }
0x8a: {  	s1 =	srdreg.scid  }
0x8b: {  	s0 =	sand.u32 $0x1, s1  }
0x8c: {  	s17 =	sshll.u32 s0, $0xA;
	s2 =	sadd.s32 s3, s2  }
0x8d: {  	s2 =	sadd.s32 s2, s17  }
0x8e: {  	[smem:$0x3FC5] =	sst s2  }
0x8f: {  	_ = 	snop  }
0x90: {  	s2 =	sld [smem:$0x3FC9]  }
0x91: {  	s18 =	sld [smem:$0x3FC7]  }
0x92: {  	s4 =	sld [smem:$0x3FD0];
	(tm) =	ssettm $0x1  }
0x93: {  	s5 =	sld [smem:$0x3FFB];
	_ =	sdelay $0x3  }
0x94: {  	_ =	strace s5  }
0x95: {  	s5 =	sld [smem:$0x3FFC];
	_ =	sdelay $0x3  }
0x96: {  	_ =	strace s5  }
0x97: {  	s5 =	sld [smem:$0x3FFD];
	_ =	sdelay $0x3  }
0x98: {  	_ =	strace s5  }
0x99: {  	_ =	strace $0x8FFFFFFF  }
0x9a: {  	s19 =	sld [smem:$0x3FDB];
	_ =	sdelay $0x1  }
0x9b: {  	s6 =	simm.s32 $_scs_section_size  }
0x9c: {  	s7 =	simm.s32 $_size__tile_overlayer_lowered;
	s8 =	simm.s32 $_tile_overlayer_lowered  }
0x9d: {  	s22 =	simm.s32 $0x1BFF;
	s21 =	sshll.u32 s8, $0x1;
	s5 =	sadd.s32 s6, s19  }
0x9e: {  	s9 =	simm.s32 $0x0;
	s20 =	sshll.u32 s7, $0x1;
	s7 =	sadd.s32 s21, s5  }
0x9f: {  	[timem:s9], [sflag:s22] =	dma.local [hbm:s7], s20  }
0xa0: {  	_ =	swait.ge [sflag:s22], s20  }
0xa1: {  	s6 =	ssub.s32 $0x0, s20;
	[sflag:s22] =	ssyncset.done $0x0  }
0xa2: {  	[sflag:s22] =	ssyncadd.s32 s6;
	_ =	sdelay $0x1  }
0xa3: {  	s23 =	simm.s32 $0x1B8B  }
0xa4: {  	_ =	swait.ge [sflag:s23], $0x1  }
0xa5: {  	[sflag:s23] =	ssyncset.done $0x0  }
0xa6: {  	s25 =	simm.s32 $0x1B8E;
	s24 =	sld [smem:$0x3FFE];
	[sflag:s23] =	ssyncadd.s32 $0xFFFFFFFF  }
0xa7: {  	s26 =	simm.s32 $execute0_lowered;
	[smem:$0x3FD2] =	sst s25  }
0xa8: {  	s7 =	sshll.u32 s26, $0x1;
	_ =	strace $0x80000046;
	[dreg:$0x1] =	wrdreg $0xFFFFFFFF  }
0xa9: {  	s28 =	simm.s32 $_size_execute0_lowered;
	s5 =	sadd.s32 s5, s7;
	[dreg:$0x0] =	wrdreg $0x0  }
0xaa: {  	s7 =	sshll.u32 s28, $0x1;
	[dreg:$0x2] =	wrdreg s5  }
0xab: {  	[dreg:$0x3] =	wrdreg s7  }
0xac: {  	[dreg:$0x4] =	wrdreg $0xC0  }
0xad: {  	_ =	task [dreg:s9], $0x5FFFF  }
0xae: {  	[dreg:$0x1] =	wrdreg $0xFFFFFFFF  }
0xaf: {  	[dreg:$0x0] =	wrdreg $0x60  }
0xb0: {  	[dreg:$0x2] =	wrdreg s2  }
0xb1: {  	[dreg:$0x3] =	wrdreg s24  }
0xb2: {  	[dreg:$0x4] =	wrdreg s18  }
0xb3: {  	[dreg:$0x5] =	wrdreg s4  }
0xb4: {  	[dreg:$0x6] =	wrdreg $0x4000  }
0xb5: {  	[dreg:$0x7] =	wrdreg $0x9  }
0xb6: {  	_ =	task.clear_ibuf [dreg:s9], $0x8FFFF;
	_ =	strace $0x90000046  }
0xb7: {  	s29 =	simm.s32 $0x9;
	_ =	strace $0x80000048  }
0xb8: {  	_ =	swait.ge [sflag:s29], $0x1  }
0xb9: {  	[sflag:s29] =	ssyncadd.s32 $0xFFFFFFFF  }
0xba: {  	_ =	strace $0x90000048  }
0xbb: {  	_ =	sfence  }
0xbc: {  	s30 =	sld [smem:$0x0];
	_ =	sdelay $0x2  }
0xbd: {  	s31 =	sshll.u32 s1, $0xD;
	s1 =	sshrl.u32 s1, $0x2  }
0xbe: {  	s3 =	sand.u32 $0x4000, s31;
	s1 =	sadd.s32 s1, s30  }
0xbf: {  	s0 =	sor.u32 s3, s0;
	s1 =	sshll.u32 s1, $0x11  }
0xc0: {  	s0 =	sor.u32 s1, s0  }
0xc1: {  	s0 =	sadd.s32 $0x8F2B, s0  }
0xc2: {  	[sflag:s0] =	ssyncadd.remote.s32 $0x1  }
0xc3: {  	_ =	sfence.sel $0xFFFF  }
0xc4: {  	[dreg:$0x0] =	wrdreg $0xFFFFFFFF;
	(pc) =	sbr.abs _section_cstart, $3  }
0xc5: {  	[dreg:$0x1] =	wrdreg $0xFFFFFFFF  }
0xc6: {  	_ =	task.clear_ibuf [dreg:s9], $0x2FFFF;
	_ =	strace $0x9FFFFFFF  }
0xc7: {  	(tm) =	ssettm $0x7FFFFFFF  }
tec
execute0_lowered:
.L_overlay_start_1:
0x0: {  	(tag) =	ssettag $0x1  }
0x1: {  	s1 =	rddreg [dreg:$0x0]  }
0x2: {  	s0 =	rddreg [dreg:$0x1]  }
0x3: {  	s2 =	rddreg [dreg:$0x3]  }
0x4: {  	s3 =	rddreg [dreg:$0x4]  }
0x5: {  	s4 =	simm.s32 $0x0;
	s5 =	srdreg.scid;
	s12 =	stileid.u32  }
0x6: {  	s28 =	simm.s32 $0xCE00;
	s29 =	simm.s32 $0x1;
	s30 =	simm.s32 $0x80  }
0x7: {  	s31 =	simm.s32 $0x7;
	[smem:$0x7FF] =	sst s4;
	s5 =	sand.u32 $0x1, s5  }
0x8: {  	s0 =	sadd.s32 $0x400, s0;
	s7 =	smul.u32 $0x28000, s12;
	s9 =	sshll.u32 s12, $0x10  }
0x9: {  	s11 =	smul.u32 $0xA000, s12;
	p0 =	seq.s32 s12, $0xF;
	_ =	strace $0x80000047  }
0xa: {  	s6 =	ssub.s32 $0x2, s5;
	s8 =	sshll.u32 s5, $0x14;
	s5 =	smul.u32 $0xA0000, s5  }
0xb: {  	s10 =	sshrl.u32 s6, $0x1;
	s8 =	sor.u32 s9, s8;
	s7 =	sshrl.u32 s7, $0x2  }
0xc: {  	s9 =	sshrl.u32 s8, $0x3;
	s6 =	ssub.s32 s6, s10;
	s7 =	sadd.s32 s7, s3  }
0xd: {  	s5 =	sadd.s32 s11, s5;
	s22 =	sor.u32 $0x700, s8;
	s23 =	sor.u32 $0x600, s8  }
0xe: {  	s24 =	sor.u32 $0x500, s8;
	s25 =	sor.u32 $0x400, s8;
	s8 =	simm.s32 $0x6  }
0xf: {  	s20 =	sadd.s32 s0, s9;
	s9 =	sadd.s32 $0x96000, s3;
	s5 =	sshrl.u32 s5, $0x3  }
0x10: {  	s6 =	smax.u32 s6, $0x1;
	s26 =	sshrl.u32 s25, $0x3;
	s18 =	smov.u32 s7  }
0x11: {  	s19 =	sshrl.u32 @!p0 s7, $0x3;
	s25 =	simm.s32 $0xA600;
	[dreg:$0x6] =	wrdreg s20  }
0x12: {  	s13 =	sadd.s32 $0x20, s20;
	s21 =	sadd.s32 $0x40, s20;
	[dreg:$0xb] =	wrdreg s6  }
0x13: {  	s10 =	sadd.s32 $0x60, s20;
	s2 =	sadd.s32 s2, s5;
	[dreg:$0x7] =	wrdreg s13  }
0x14: {  	s5 =	sshrl.u32 s23, $0x3;
	s16 =	sadd.s32 s26, s0;
	[dreg:$0x8] =	wrdreg s21  }
0x15: {  	s20 =	simm.s32 $0x100;
	s23 =	simm.s32 $0x3;
	[dreg:$0x9] =	wrdreg s10  }
0x16: {  	s26 =	simm.s32 $0x4;
	s6 =	simm.s32 $0x0;
	[dreg:$0xa] =	wrdreg s2  }
0x17: {  	s2 =	sshrl.u32 s22, $0x3;
	s14 =	sadd.s32 s5, s0;
	s5 =	sshll.u32 @!p0 s12, $0x6  }
.Ltmp0:
0x18: {  	s21 =	simm.s32 $0x200;
	s22 =	simm.s32 $0x300;
	(pc) =	sbr.rel .LBB2_1-.Ltmp0, $4  }
0x19: {  	s13 =	sadd.s32 s2, s0;
	s2 =	sshrl.u32 s24, $0x3;
	s24 =	simm.s32 $0x50  }
0x1a: {  	s15 =	sadd.s32 s2, s0;
	s0 =	sshrl.u32 @p0 s9, $0x3;
	s2 =	simm.s32 $0x180  }
0x1b: {  	s9 =	simm.s32 $0x380;
	[dreg:$0xc] =	wrdreg s0;
	s0 =	sor.u32 @!p0 $0x1C07, s5  }
0x1c: {  	s5 =	simm.s32 $0x2;
	[dreg:$0xd] =	wrdreg s0;
	s0 =	simm.s32 $0x5  }
.LBB2_4:
0x1d: {  	s7 =	stileid.u32  }
0x1e: {  	[bflag:$0x0] =	sbarrier.arrive $0xFFFF;
	s7 =	sshll.u32 s7, $0x6  }
0x1f: {  	s10 =	sshrl.u32 s18, $0x3;
	s11 =	rddreg [dreg:$0xa];
	s7 =	sor.u32 $0x1C07, s7  }
0x20: {  	[hbm:s11], [sflag:s7] =	dma.local [spmem:s10], $0x1400  }
0x21: {  	_ =	swait.ge [sflag:s31], $0x1400  }
0x22: {  	s6 =	sadd.s32 $0x1, s6;
	s17 =	rddreg [dreg:$0xb]  }
0x23: {  	p1 =	sne.s32 s6, s17  }
.Ltmp1:
0x24: {  	_ = 	snop;
	(pc) =	sbr.rel @!p1 .LBB2_5-.Ltmp1, $3  }
0x25: {  	_ =	sdelay $0x1  }
0x26: {  	[sflag:s31] =	ssyncset.done $0x0  }
0x27: {  	[sflag:s31] =	ssyncadd.s32 $0xFFFFEC00  }
.LBB2_1:
0x28: {  	s7 =	rddreg [dreg:$0x2]  }
0x29: {  	s10 =	simm.s32 @p0 $0x1FC7;
	s11 =	rddreg [dreg:$0xc]  }
0x2a: {  	[spmem:s11], [sflag:s10] =	dma.local @p0 [hbm:s7], $0x1800  }
0x2b: {  	s10 =	simm.s32 @p0 $0x7  }
0x2c: {  	_ =	swait.ge @p0 [sflag:s10], $0x1800  }
0x2d: {  	[sflag:s10] =	ssyncset.done @p0 $0x0  }
0x2e: {  	[sflag:s10] =	ssyncadd.s32 @p0 $0xFFFFE800;
	s10 =	rddreg [dreg:$0xd]  }
0x2f: {  	[spmem:s19], [sflag:s10] =	dma.local @!p0 [hbm:s7], $0x1400  }
0x30: {  	s10 =	simm.s32 @!p0 $0x7  }
0x31: {  	_ =	swait.ge @!p0 [sflag:s10], $0x1400  }
0x32: {  	[sflag:s10] =	ssyncset.done @!p0 $0x0  }
0x33: {  	[sflag:s10] =	ssyncadd.s32 @!p0 $0xFFFFEC00;
	s10 =	rddreg [dreg:$0x6]  }
0x34: {  	[tilespmem:s4], [sflag:$0x3] =	stream.linear.gather [hbm4b:s10+s4], $0x100, $0x38;
	[tilespmem:$0xF600] =	vst v63  }
0x35: {  	s11 =	rddreg [dreg:$0x7]  }
0x36: {  	[tilespmem:s20], [sflag:$0x4] =	stream.linear.gather [hbm4b:s11+s4], $0x100, $0x38;
	[tilespmem:$0xF600] =	vst v63  }
0x37: {  	s12 =	rddreg [dreg:$0x8]  }
0x38: {  	[tilespmem:s21], [sflag:$0x5] =	stream.linear.gather [hbm4b:s12+s4], $0x100, $0x38;
	[tilespmem:$0xF600] =	vst v63  }
0x39: {  	s17 =	rddreg [dreg:$0x9]  }
0x3a: {  	[tilespmem:s22], [sflag:$0x6] =	stream.linear.gather [hbm4b:s17+s4], $0x100, $0x38;
	[tilespmem:$0xF600] =	vst v63  }
0x3b: {  	_ =	swait.ge [sflag:s23], $0x100  }
0x3c: {  	[sflag:s23] =	ssyncset.done $0x0  }
0x3d: {  	[sflag:s23] =	ssyncadd.s32 $0xFFFFFF00  }
0x3e: {  	[tilespmem:s25], [sflag:$0x1] =	stream.indirect.gather [hbm4b:s1+s24], $0x80, s4, s24, $0xb8;
	[tilespmem:$0xF600] =	vst v63  }
0x3f: {  	_ =	swait.ge [sflag:s26], $0x100  }
0x40: {  	[sflag:s26] =	ssyncset.done $0x0  }
0x41: {  	[sflag:s26] =	ssyncadd.s32 $0xFFFFFF00  }
0x42: {  	[tilespmem:s28], [sflag:$0x2] =	stream.indirect.gather [hbm4b:s1+s24], $0x80, s20, s24, $0xb8;
	[tilespmem:$0xF600] =	vst v63  }
0x43: {  	s10 =	simm.s32 $0x0;
	[bflag:$0x0] =	sbarrier.arrive $0xFFFF  }
.LBB2_2:
0x44: {  	_ =	swait.ge [sflag:s29], $0x2800  }
0x45: {  	[sflag:s29] =	ssyncset.done $0x0  }
0x46: {  	[sflag:s29] =	ssyncadd.s32 $0xFFFFD800  }
0x47: {  	[spmem:s3] =	stream.indirect.scatter.add.f32 [tilespmem:s25], [sflag:$0x7], $0x80, s30, s24, $0xb8;
	[tilespmem:$0xF600] =	vst v63  }
0x48: {  	_ =	swait.ge [sflag:s31], $0x2800  }
0x49: {  	[sflag:s31] =	ssyncset.done $0x0  }
0x4a: {  	[sflag:s31] =	ssyncadd.s32 $0xFFFFD800  }
0x4b: {  	_ =	swait.ge [sflag:s0], $0x100  }
0x4c: {  	[sflag:s0] =	ssyncset.done $0x0  }
0x4d: {  	p1 =	seq.s32 s10, $0x1F80;
	[sflag:s0] =	ssyncadd.s32 $0xFFFFFF00  }
0x4e: {  	[tilespmem:s25], [sflag:$0x1] =	stream.indirect.gather [hbm4b:s1+s24], $0x80, s21, s24, $0xb8;
	[tilespmem:$0xF600] =	vst v63  }
0x4f: {  	s11 =	sadd.s32 @!p1 s10, s16;
	s12 =	simm.s32 @!p1 $0x0  }
0x50: {  	[tilespmem:s12], [sflag:$0x3] =	stream.linear.gather @!p1 [hbm4b:s11+s12], $0x100, $0x38;
	[tilespmem:$0xF600] =	vst v63  }
0x51: {  	_ =	swait.ge [sflag:s5], $0x2800  }
0x52: {  	[sflag:s5] =	ssyncset.done $0x0  }
0x53: {  	[sflag:s5] =	ssyncadd.s32 $0xFFFFD800  }
0x54: {  	[spmem:s3] =	stream.indirect.scatter.add.f32 [tilespmem:s28], [sflag:$0x7], $0x80, s2, s24, $0xb8;
	[tilespmem:$0xF600] =	vst v63  }
0x55: {  	_ =	swait.ge [sflag:s31], $0x2800  }
0x56: {  	[sflag:s31] =	ssyncset.done $0x0  }
0x57: {  	[sflag:s31] =	ssyncadd.s32 $0xFFFFD800  }
0x58: {  	_ =	swait.ge [sflag:s8], $0x100  }
0x59: {  	[sflag:s8] =	ssyncset.done $0x0  }
0x5a: {  	s11 =	simm.s32 @p1 $0x1;
	[sflag:s8] =	ssyncadd.s32 $0xFFFFFF00  }
0x5b: {  	[tilespmem:s28], [sflag:$0x2] =	stream.indirect.gather [hbm4b:s1+s24], $0x80, s22, s24, $0xb8;
	[tilespmem:$0xF600] =	vst v63  }
0x5c: {  	_ =	swait.ge @p1 [sflag:s11], $0x2800  }
0x5d: {  	s7 =	simm.s32 @p1 $0x280;
	[sflag:s11] =	ssyncset.done @p1 $0x0  }
0x5e: {  	s17 =	simm.s32 @p1 $0xA600;
	[sflag:s11] =	ssyncadd.s32 @p1 $0xFFFFD800;
	s11 =	simm.s32 @p1 $0x50  }
0x5f: {  	[spmem:s3] =	stream.indirect.scatter.add.f32 @p1 [tilespmem:s17], [sflag:$0x7], $0x80, s7, s11, $0xb8;
	[tilespmem:$0xF600] =	vst v63  }
0x60: {  	s7 =	simm.s32 @p1 $0x7  }
0x61: {  	_ =	swait.ge @p1 [sflag:s7], $0x2800  }
0x62: {  	[sflag:s7] =	ssyncset.done @p1 $0x0  }
0x63: {  	s11 =	simm.s32 @!p1 $0x100;
	[sflag:s7] =	ssyncadd.s32 @p1 $0xFFFFD800;
	s7 =	sadd.s32 @!p1 s10, s15  }
0x64: {  	[tilespmem:s11], [sflag:$0x4] =	stream.linear.gather @!p1 [hbm4b:s7+s12], $0x100, $0x38;
	[tilespmem:$0xF600] =	vst v63  }
0x65: {  	s7 =	simm.s32 @!p1 $0x1  }
0x66: {  	_ =	swait.ge @!p1 [sflag:s7], $0x2800  }
0x67: {  	s17 =	simm.s32 @!p1 $0xA600;
	[sflag:s7] =	ssyncset.done @!p1 $0x0  }
0x68: {  	s11 =	simm.s32 @!p1 $0x280;
	[sflag:s7] =	ssyncadd.s32 @!p1 $0xFFFFD800;
	s7 =	simm.s32 @!p1 $0x50  }
0x69: {  	[spmem:s3] =	stream.indirect.scatter.add.f32 @!p1 [tilespmem:s17], [sflag:$0x7], $0x80, s11, s7, $0xb8;
	[tilespmem:$0xF600] =	vst v63  }
0x6a: {  	s11 =	simm.s32 @!p1 $0x7  }
0x6b: {  	_ =	swait.ge @!p1 [sflag:s11], $0x2800  }
0x6c: {  	[sflag:s11] =	ssyncset.done @!p1 $0x0  }
0x6d: {  	[sflag:s11] =	ssyncadd.s32 @!p1 $0xFFFFD800;
	s11 =	simm.s32 @!p1 $0x3  }
0x6e: {  	_ =	swait.ge @!p1 [sflag:s11], $0x100  }
0x6f: {  	[sflag:s11] =	ssyncset.done @!p1 $0x0  }
0x70: {  	[sflag:s11] =	ssyncadd.s32 @!p1 $0xFFFFFF00  }
0x71: {  	[tilespmem:s17], [sflag:$0x1] =	stream.indirect.gather @!p1 [hbm4b:s1+s7], $0x80, s12, s7, $0xb8;
	[tilespmem:$0xF600] =	vst v63  }
0x72: {  	s11 =	simm.s32 @!p1 $0x200;
	s7 =	sadd.s32 @!p1 s10, s14  }
0x73: {  	[tilespmem:s11], [sflag:$0x5] =	stream.linear.gather @!p1 [hbm4b:s7+s12], $0x100, $0x38;
	[tilespmem:$0xF600] =	vst v63  }
0x74: {  	_ =	swait.ge [sflag:s5], $0x2800  }
0x75: {  	[sflag:s5] =	ssyncset.done $0x0  }
.Ltmp2:
0x76: {  	[sflag:s5] =	ssyncadd.s32 $0xFFFFD800;
	(pc) =	sbr.rel @p1 .LBB2_4-.Ltmp2, $4  }
0x77: {  	[spmem:s3] =	stream.indirect.scatter.add.f32 [tilespmem:s28], [sflag:$0x7], $0x80, s9, s24, $0xb8;
	[tilespmem:$0xF600] =	vst v63  }
0x78: {  	_ =	swait.ge [sflag:s31], $0x2800  }
0x79: {  	[sflag:s31] =	ssyncset.done $0x0  }
0x7a: {  	[sflag:s31] =	ssyncadd.s32 $0xFFFFD800  }
0x7b: {  	_ =	swait.ge [sflag:s26], $0x100  }
.Ltmp3:
0x7c: {  	[sflag:s26] =	ssyncset.done $0x0;
	(pc) =	sbr.rel .LBB2_2-.Ltmp3, $4  }
0x7d: {  	[sflag:s26] =	ssyncadd.s32 $0xFFFFFF00  }
0x7e: {  	[tilespmem:s28], [sflag:$0x2] =	stream.indirect.gather [hbm4b:s1+s24], $0x80, s20, s24, $0xb8;
	[tilespmem:$0xF600] =	vst v63  }
0x7f: {  	s7 =	sadd.s32 s10, s13;
	s10 =	sadd.s32 $0x80, s10  }
0x80: {  	[tilespmem:s22], [sflag:$0x6] =	stream.linear.gather [hbm4b:s7+s4], $0x100, $0x38;
	[tilespmem:$0xF600] =	vst v63  }
.LBB2_5:
0x81: {  	_ =	sfence.sel $0x180000  }
0x82: {  	[bflag:$0x0] =	sbarrier.arrive $0xFFFF  }
0x83: {  	_ =	strace $0x90000047  }
0x84: {  	s0 =	stileid.u32;
	[bflag:$0x2] =	sbarrier.arrive $0xFFFF  }
0x85: {  	p0 =	sne.s32 s0, $0x0;
	s0 =	rddreg [dreg:$0x5]  }
0x86: {  	s0 =	sadd.s32 @!p0 $0x100000, s0  }
0x87: {  	[sflag:s0] =	ssyncadd.tile.s32 @!p0 $0x1;
	_ =	shalt  }
.Lfunc_end2:
_tile_overlayer_lowered:
.L_overlay_start_2:
0x88: {  	(tag) =	ssettag $0x2  }
0x89: {  	s0 =	rddreg [dreg:$0x0];
	s2 =	stileid.u32  }
0x8a: {  	s1 =	rddreg [dreg:$0x1];
	p0 =	sne.s32 s2, $0x0  }
0x8b: {  	s3 =	rddreg [dreg:$0x2];
	[bflag:$0x3] =	sbarrier.arrive $0xFFFF;
	s2 =	simm.s32 @!p0 $0x1C07  }
0x8c: {  	[timem:s3], [sflag:s2] =	dma.local @!p0 [hbm:s0], s1  }
0x8d: {  	s0 =	simm.s32 @!p0 $0x7  }
0x8e: {  	_ =	swait.ge @!p0 [sflag:s0], s1  }
0x8f: {  	s1 =	ssub.s32 @!p0 $0x0, s1;
	[sflag:s0] =	ssyncset.done @!p0 $0x0  }
0x90: {  	[sflag:s0] =	ssyncadd.s32 @!p0 s1  }
0x91: {  	[bflag:$0x3] =	sbarrier.arrive $0xFFFF  }
0x92: {  	_ =	shalt  }

</sc_bundles>
